<compile_context>
chip_gen: v7x
topology: tpu7x:2x2x1
jax: 0.10.2.dev20260603
libtpu: 0.0.44.dev20260713+nightly
codegen_flags: <defaults>
</compile_context>

<pallas_src>
import functools

import jax
import jax.numpy as jnp
from jax import lax
from jax.experimental import pallas as pl
from jax.experimental.pallas import tpu as pltpu
from jax.experimental.pallas import tpu_sc as plsc

_LANES = 16
_CH = 4
_UNROLL = 8
_SEARCH_ITERS = 24
_TC_ROWS = 26
_SC_SHARDS = 4


def _tree_reduce(vals, op):
    vals = list(vals)
    while len(vals) > 1:
        nxt = [op(vals[i], vals[i + 1]) for i in range(0, len(vals) - 1, 2)]
        if len(vals) % 2:
            nxt.append(vals[-1])
        vals = nxt
    return vals[0]



def _tc_body(x_ref, w_ref, b_ref, out_ref, scores_ref, *, k):
    i = pl.program_id(0)
    nb = pl.num_programs(0)
    s = jnp.dot(w_ref[...], x_ref[0], preferred_element_type=jnp.float32)
    scores_ref[pl.ds(i, 1), :] = jnp.abs(s + b_ref[0, 0])

    @pl.when(i == nb - 1)
    def _finalize():
        sa = scores_ref[...]
        hi0 = jnp.max(sa, axis=1, keepdims=True)
        lo0 = jnp.zeros_like(hi0)

        def body(_, carry):
            lo, hi = carry
            mid = (lo + hi) * 0.5
            cnt = jnp.sum((sa >= mid).astype(jnp.float32), axis=1,
                          keepdims=True)
            take = cnt >= float(k)
            return jnp.where(take, mid, lo), jnp.where(take, hi, mid)

        lo, _ = lax.fori_loop(0, _SEARCH_ITERS + 6, body, (lo0, hi0))
        gt = sa > lo
        cnt_gt = jnp.sum(gt.astype(jnp.float32), axis=1, keepdims=True)
        sum_gt = jnp.sum(jnp.where(gt, sa, 0.0), axis=1, keepdims=True)
        out_ref[...] = (sum_gt + (float(k) - cnt_gt) * lo) * (1.0 / float(k))


def _tc_call(x, w2, b2, k):
    B, C, N = x.shape
    return pl.pallas_call(
        functools.partial(_tc_body, k=k),
        grid=(_TC_ROWS,),
        in_specs=[
            pl.BlockSpec((1, C, N), lambda i: (i, 0, 0)),
            pl.BlockSpec((1, C), lambda i: (0, 0)),
            pl.BlockSpec(memory_space=pltpu.SMEM),
        ],
        out_specs=pl.BlockSpec((_TC_ROWS, 1), lambda i: (0, 0)),
        out_shape=jax.ShapeDtypeStruct((_TC_ROWS, 1), jnp.float32),
        scratch_shapes=[pltpu.VMEM((_TC_ROWS, N), jnp.float32)],
    )(x, w2, b2)



def _sc_body(x_hbm, w_hbm, b_hbm, out_hbm,
             buf0, buf1, w_v, b_v, scores_v, full_v, res_v, shared,
             sem0, sem1, *, C, N, k, sc_rows):
    cid = lax.axis_index("c")
    sid = lax.axis_index("s")
    row_local = sid // _SC_SHARDS
    q = sid % _SC_SHARDS
    out_row = cid * _SC_SHARDS + row_local
    active = out_row < sc_rows
    row = jnp.minimum(_TC_ROWS + out_row, _TC_ROWS + sc_rows - 1)
    Q = N // _SC_SHARDS

    pltpu.sync_copy(w_hbm, w_v.at[pl.ds(0, C)])
    pltpu.sync_copy(b_hbm, b_v)
    bias = b_v[...][0]

    n_pairs = C // (2 * _CH)
    groups = Q // _LANES
    outer = groups // _UNROLL
    step = _UNROLL * _LANES

    def chunk_src(c):
        return x_hbm.at[row, pl.ds(c * _CH, _CH), pl.ds(q * Q, Q)]

    def accum(buf, w0, w1, w2, w3):
        @plsc.parallel_loop(0, outer)
        def _(g):
            for u in range(_UNROLL):
                sl = pl.ds(g * step + u * _LANES, _LANES)
                v = ((buf[0, sl] * w0 + buf[1, sl] * w1)
                     + (buf[2, sl] * w2 + buf[3, sl] * w3))
                plsc.addupdate(scores_v.at[sl], v)

    def pair_body(t, carry):
        ca = 2 * t
        wblk = w_v[pl.ds(t * (2 * _CH), _LANES)]

        pltpu.make_async_copy(chunk_src(ca), buf0, sem0).wait()
        accum(buf0, wblk[0], wblk[1], wblk[2], wblk[3])

        @pl.when(t < n_pairs - 1)
        def _():
            pltpu.async_copy(chunk_src(ca + 2), buf0, sem0)

        pltpu.make_async_copy(chunk_src(ca + 1), buf1, sem1).wait()
        accum(buf1, wblk[4], wblk[5], wblk[6], wblk[7])

        @pl.when(t < n_pairs - 1)
        def _():
            pltpu.async_copy(chunk_src(ca + 3), buf1, sem1)

        return carry

    @pl.when(active)
    def _scoring():
        @plsc.parallel_loop(0, outer)
        def _zero(g):
            for u in range(_UNROLL):
                scores_v[pl.ds(g * step + u * _LANES, _LANES)] = (
                    jnp.zeros((_LANES,), jnp.float32))

        pltpu.async_copy(chunk_src(0), buf0, sem0)
        pltpu.async_copy(chunk_src(1), buf1, sem1)

        lax.fori_loop(0, n_pairs, pair_body, 0)

        def abs_body(g, carry):
            for u in range(_UNROLL):
                sl = pl.ds(g * step + u * _LANES, _LANES)
                scores_v[sl] = jnp.abs(scores_v[sl] + bias)
            return carry

        lax.fori_loop(0, outer, abs_body, 0)

        pltpu.sync_copy(scores_v, shared.at[row_local, pl.ds(q * Q, Q)])

    plsc.subcore_barrier()

    fgroups = N // _LANES
    fouter = fgroups // _UNROLL
    one = jnp.ones((_LANES,), jnp.float32)
    zv = jnp.zeros((_LANES,), jnp.float32)

    @pl.when(jnp.logical_and(q == 0, active))
    def _owner():
        pltpu.sync_copy(shared.at[row_local], full_v)

        def max_body(g, mx):
            parts = []
            for u in range(_UNROLL):
                parts.append(full_v[pl.ds(g * step + u * _LANES, _LANES)])
            return jnp.maximum(mx, _tree_reduce(parts, jnp.maximum))

        mx = plsc.parallel_loop(0, fouter, carry=zv)(max_body)
        hi0 = plsc.cummax(mx)[_LANES - 1]
        kf = jnp.float32(float(k))

        def count_ge(t):
            def body(g, acc):
                parts = []
                for u in range(_UNROLL):
                    sl = pl.ds(g * step + u * _LANES, _LANES)
                    parts.append(jnp.where(full_v[sl] >= t, one, zv))
                return acc + _tree_reduce(parts, lax.add)
            acc = plsc.parallel_loop(0, fouter, carry=zv)(body)
            return plsc.cumsum(acc)[_LANES - 1]

        def search_body(_, carry):
            lo, hi = carry
            mid = (lo + hi) * jnp.float32(0.5)
            take = count_ge(mid) >= kf
            return (jnp.where(take, mid, lo), jnp.where(take, hi, mid))

        lo, _ = lax.fori_loop(0, _SEARCH_ITERS, search_body,
                              (jnp.float32(0.0), hi0))

        def final_body(g, carry):
            sacc, cacc = carry
            sparts, cparts = [], []
            for u in range(_UNROLL):
                sl = pl.ds(g * step + u * _LANES, _LANES)
                v = full_v[sl]
                m = v > lo
                sparts.append(jnp.where(m, v, zv))
                cparts.append(jnp.where(m, one, zv))
            return (sacc + _tree_reduce(sparts, lax.add),
                    cacc + _tree_reduce(cparts, lax.add))

        sacc, cacc = plsc.parallel_loop(
            0, fouter, carry=(zv, zv))(final_body)
        total = (plsc.cumsum(sacc)[_LANES - 1]
                 + (kf - plsc.cumsum(cacc)[_LANES - 1]) * lo)
        res = total * jnp.float32(1.0 / float(k))
        res_v[...] = jnp.full((_LANES,), res, jnp.float32)
        pltpu.sync_copy(res_v, out_hbm.at[out_row])


def _sc_call(x, W, b16, k):
    B, C, N = x.shape
    sc_rows = B - _TC_ROWS
    mesh = plsc.VectorSubcoreMesh(core_axis_name="c", subcore_axis_name="s")
    Q = N // _SC_SHARDS
    return pl.kernel(
        functools.partial(_sc_body, C=C, N=N, k=k, sc_rows=sc_rows),
        out_type=jax.ShapeDtypeStruct((sc_rows, _LANES), jnp.float32),
        mesh=mesh,
        compiler_params=pltpu.CompilerParams(needs_layout_passes=False),
        scratch_types=[
            pltpu.VMEM((_CH, Q), jnp.float32),
            pltpu.VMEM((_CH, Q), jnp.float32),
            pltpu.VMEM((C + _LANES,), jnp.float32),
            pltpu.VMEM((_LANES,), jnp.float32),
            pltpu.VMEM((Q,), jnp.float32),
            pltpu.VMEM((N,), jnp.float32),
            pltpu.VMEM((_LANES,), jnp.float32),
            pltpu.VMEM_SHARED((_SC_SHARDS, N), jnp.float32),
            pltpu.SemaphoreType.DMA,
            pltpu.SemaphoreType.DMA,
        ],
    )(x, W, b16)


@jax.jit
def kernel(x, W, b):
    B, C, N = x.shape
    k = max(int(N * 0.1), 1)
    w2 = W.reshape(1, C)
    b2 = b.reshape(1, 1)
    b16 = jnp.broadcast_to(b, (_LANES,)).astype(jnp.float32)
    sc_out = _sc_call(x, W, b16, k)
    tc_out = _tc_call(x, w2, b2, k)
    return jnp.concatenate([tc_out, sc_out[:, :1]], axis=0)

# --- scband reference (transcript-rebuilt; emitter-appended) ---
"""Pipeline reference for scband-plain-head-44839458570506 (READ-ONLY COPY).

The authoritative reference and input builder live on the scoring server;
editing this copy changes nothing except your own understanding.
"""

import jax, jax.numpy as jnp
import numpy as np


def setup_inputs(seed: int = 0) -> dict:
    key = jax.random.key(seed)
    k1, k2, k3 = jax.random.split(key, 3)
    x = jax.random.normal(k1, (32, 128, 8192), dtype=jnp.float32)
    # Conv1d(in_dim=128, out=1, kernel=1) weight -> effectively a [128] vector + scalar bias
    W = jax.random.normal(k2, (128,), dtype=jnp.float32) * (1.0 / np.sqrt(128.0))
    b = jax.random.normal(k3, (1,), dtype=jnp.float32) * 0.01
    return {"x": x, "W": W, "b": b}


def reference(x, W, b):
    # Conv1d with kernel_size=1, out_channels=1: per-position dot product over channels
    scores = jnp.einsum('bcn,c->bn', x, W) + b  # [B, N]
    N = scores.shape[1]
    topk = max(int(N * 0.1), 1)
    vals, _ = jax.lax.top_k(jnp.abs(scores), topk)  # [B, topk]
    out = jnp.mean(vals, axis=1, keepdims=True)  # [B, 1]
    return out

if __name__ == "__main__":
    import jax
    _d = setup_inputs()
    print(jax.jit(kernel)(*tuple(_d.values())))

</pallas_src>

<mosaic_0001>
#map = affine_map<(d0, d1) -> (0, 0, 0)>
#map1 = affine_map<(d0, d1) -> (0)>
#map2 = affine_map<(d0, d1) -> (0, 0)>
module attributes {stable_mosaic.version = 14 : i64} {
  func.func @_sc_body(%arg0: i32, %arg1: i32, %arg2: memref<32x128x8192xf32, #tpu.memory_space<hbm>>, %arg3: memref<128xf32, #tpu.memory_space<hbm>>, %arg4: memref<16xf32, #tpu.memory_space<hbm>>, %arg5: memref<6x16xf32, #tpu.memory_space<hbm>>, %arg6: memref<4x2048xf32, #tpu.memory_space<vmem>>, %arg7: memref<4x2048xf32, #tpu.memory_space<vmem>>, %arg8: memref<144xf32, #tpu.memory_space<vmem>>, %arg9: memref<16xf32, #tpu.memory_space<vmem>>, %arg10: memref<2048xf32, #tpu.memory_space<vmem>>, %arg11: memref<8192xf32, #tpu.memory_space<vmem>>, %arg12: memref<16xf32, #tpu.memory_space<vmem>>, %arg13: memref<4x8192xf32, #tpu.memory_space<vmem_shared>>, %arg14: memref<!tpu.dma_semaphore, #tpu.memory_space<semaphore_mem>>, %arg15: memref<!tpu.dma_semaphore, #tpu.memory_space<semaphore_mem>>) attributes {dimension_semantics = [#tpu.dimension_semantics<core_parallel>, #tpu.dimension_semantics<subcore_parallel>], iteration_bounds = array<i64: 2, 16>, scalar_prefetch = 0 : i64, scratch_operands = 10 : i64, tpu.core_type = #tpu.core_type<sc_vector_subcore>, window_params = [{transform_indices = #map}, {transform_indices = #map1}, {transform_indices = #map1}, {transform_indices = #map2}]} {
    %jit3A = arith.constant 4 : i32
    %div3A = arith.divsi %arg1, %jit3A : i32
    %sign3A = arith.constant 0 : i32
    %sign3A_0 = arith.cmpi sgt, %arg1, %sign3A : i32
    %sign3A_1 = arith.extui %sign3A_0 : i1 to i32
    %sign3A_2 = arith.constant 0 : i32
    %sign3A_3 = arith.cmpi slt, %arg1, %sign3A_2 : i32
    %sign3A_4 = arith.extui %sign3A_3 : i1 to i32
    %sign3A_5 = arith.subi %sign3A_1, %sign3A_4 : i32
    %sign3A_6 = arith.constant 0 : i32
    %sign3A_7 = arith.cmpi sgt, %jit3A, %sign3A_6 : i32
    %sign3A_8 = arith.extui %sign3A_7 : i1 to i32
    %sign3A_9 = arith.constant 0 : i32
    %sign3A_10 = arith.cmpi slt, %jit3A, %sign3A_9 : i32
    %sign3A_11 = arith.extui %sign3A_10 : i1 to i32
    %sign3A_12 = arith.subi %sign3A_8, %sign3A_11 : i32
    %ne3A = arith.cmpi ne, %sign3A_5, %sign3A_12 : i32
    %rem3A = arith.remsi %arg1, %jit3A : i32
    %ne3A_13 = arith.constant 0 : i32
    %ne3A_14 = arith.cmpi ne, %rem3A, %ne3A_13 : i32
    %and3A = arith.andi %ne3A, %ne3A_14 : i1
    %sub3A = arith.constant 1 : i32
    %sub3A_15 = arith.subi %div3A, %sub3A : i32
    %select_n3A = arith.select %and3A, %sub3A_15, %div3A : i32
    %jit3A_16 = arith.constant 4 : i32
    %eq3A = arith.constant 0 : i32
    %eq3A_17 = arith.cmpi eq, %jit3A_16, %eq3A : i32
    %jit3A_18 = arith.constant 1 : i32
    %select_n3A_19 = arith.select %eq3A_17, %jit3A_18, %jit3A_16 : i32
    %rem3A_20 = arith.remsi %arg1, %select_n3A_19 : i32
    %ne3A_21 = arith.constant 0 : i32
    %ne3A_22 = arith.cmpi ne, %rem3A_20, %ne3A_21 : i32
    %lt3A = arith.constant 0 : i32
    %lt3A_23 = arith.cmpi slt, %rem3A_20, %lt3A : i32
    %lt3A_24 = arith.constant 0 : i32
    %lt3A_25 = arith.cmpi slt, %select_n3A_19, %lt3A_24 : i32
    %ne3A_26 = arith.xori %lt3A_23, %lt3A_25 : i1
    %and3A_27 = arith.andi %ne3A_26, %ne3A_22 : i1
    %add3A = arith.addi %rem3A_20, %select_n3A_19 : i32
    %select_n3A_28 = arith.select %and3A_27, %add3A, %rem3A_20 : i32
    %mul3A = arith.constant 4 : i32
    %mul3A_29 = arith.muli %arg0, %mul3A : i32
    %add3A_30 = arith.addi %mul3A_29, %select_n3A : i32
    %lt3A_31 = arith.constant 6 : i32
    %lt3A_32 = arith.cmpi slt, %add3A_30, %lt3A_31 : i32
    %add3A_33 = arith.constant 26 : i32
    %add3A_34 = arith.addi %add3A_33, %add3A_30 : i32
    %min3A = arith.constant 31 : i32
    %min3A_35 = arith.minsi %add3A_34, %min3A : i32
    "tpu.region"() ({
      %run_scoped3A = tpu.sem_alloc : memref<!tpu.dma_semaphore, #tpu.memory_space<semaphore_mem>>
      %dma_start3A = arith.constant 0 : i32
      %dma_start3A_47 = tpu.memref_slice %arg8[%dma_start3A] : memref<144xf32, #tpu.memory_space<vmem>> -> memref<128xf32, #tpu.memory_space<vmem>>
      %dma_start3A_48 = arith.constant 0 : i32
      %dma_start3A_49 = tpu.memref_slice %arg8[%dma_start3A_48] : memref<144xf32, #tpu.memory_space<vmem>> -> memref<128xf32, #tpu.memory_space<vmem>>
      tpu.enqueue_dma source(%arg3 : memref<128xf32, #tpu.memory_space<hbm>>) target(%dma_start3A_49 : memref<128xf32, #tpu.memory_space<vmem>>) target_semaphore(%run_scoped3A : memref<!tpu.dma_semaphore, #tpu.memory_space<semaphore_mem>>)
      %dma_wait3A = arith.constant 0 : i32
      %dma_wait3A_50 = tpu.memref_slice %arg8[%dma_wait3A] : memref<144xf32, #tpu.memory_space<vmem>> -> memref<128xf32, #tpu.memory_space<vmem>>
      %dma_wait3A_51 = arith.constant 0 : i32
      %dma_wait3A_52 = tpu.memref_slice %arg8[%dma_wait3A_51] : memref<144xf32, #tpu.memory_space<vmem>> -> memref<128xf32, #tpu.memory_space<vmem>>
      tpu.wait_dma2 semaphore(%run_scoped3A : memref<!tpu.dma_semaphore, #tpu.memory_space<semaphore_mem>>) src(%arg3 : memref<128xf32, #tpu.memory_space<hbm>>) dst(%dma_wait3A_52 : memref<128xf32, #tpu.memory_space<vmem>>)
      tpu.yield
    }) : () -> ()
    "tpu.region"() ({
      %run_scoped3A = tpu.sem_alloc : memref<!tpu.dma_semaphore, #tpu.memory_space<semaphore_mem>>
      tpu.enqueue_dma source(%arg4 : memref<16xf32, #tpu.memory_space<hbm>>) target(%arg9 : memref<16xf32, #tpu.memory_space<vmem>>) target_semaphore(%run_scoped3A : memref<!tpu.dma_semaphore, #tpu.memory_space<semaphore_mem>>)
      tpu.wait_dma2 semaphore(%run_scoped3A : memref<!tpu.dma_semaphore, #tpu.memory_space<semaphore_mem>>) src(%arg4 : memref<16xf32, #tpu.memory_space<hbm>>) dst(%arg9 : memref<16xf32, #tpu.memory_space<vmem>>)
      tpu.yield
    }) : () -> ()
    %get3A = arith.constant 0 : index
    %get3A_36 = tpu.vector_load %arg9[%get3A] {strides = array<i32>} : memref<16xf32, #tpu.memory_space<vmem>>, vector<16xf32>,
    %slice3A = vector.extract_strided_slice %get3A_36 {offsets = [0], sizes = [1], strides = [1]} : vector<16xf32> to vector<1xf32>
    %squeeze3A = vector.extract %slice3A[0] : f32 from vector<1xf32>
    %convert_element_type3A = arith.extui %lt3A_32 : i1 to i32
    %cond3A = arith.constant 0 : i32
    %cond3A_37 = arith.cmpi ne, %convert_element_type3A, %cond3A : i32
    scf.if %cond3A_37 {
      %parallel_loop3A = arith.constant 0 : i32
      %parallel_loop3A_47 = arith.constant 16 : i32
      %parallel_loop3A_48 = arith.constant 1 : i32
      scf.for %parallel_loop3A_77 = %parallel_loop3A to %parallel_loop3A_47 step %parallel_loop3A_48  : i32 {
        %parallel_loop3A_78 = arith.constant 0.000000e+00 : f32
        %parallel_loop3A_79 = vector.broadcast %parallel_loop3A_78 : f32 to vector<16xf32>
        %parallel_loop3A_80 = arith.constant 128 : i32
        %parallel_loop3A_81 = arith.muli %parallel_loop3A_77, %parallel_loop3A_80 : i32
        %parallel_loop3A_82 = arith.constant 0 : i32
        %parallel_loop3A_83 = arith.addi %parallel_loop3A_81, %parallel_loop3A_82 : i32
        %parallel_loop3A_84 = arith.index_cast %parallel_loop3A_83 : i32 to index
        %parallel_loop3A_85 = tpu.vector_load %arg10[%parallel_loop3A_84] {strides = array<i32>} : memref<2048xf32, #tpu.memory_space<vmem>>, vector<16xf32>,
        tpu.vector_store %arg10[%parallel_loop3A_84], %parallel_loop3A_79 {strides = array<i32>} : memref<2048xf32, #tpu.memory_space<vmem>>, vector<16xf32>,
        %parallel_loop3A_86 = arith.constant 0.000000e+00 : f32
        %parallel_loop3A_87 = vector.broadcast %parallel_loop3A_86 : f32 to vector<16xf32>
        %parallel_loop3A_88 = arith.constant 128 : i32
        %parallel_loop3A_89 = arith.muli %parallel_loop3A_77, %parallel_loop3A_88 : i32
        %parallel_loop3A_90 = arith.constant 16 : i32
        %parallel_loop3A_91 = arith.addi %parallel_loop3A_89, %parallel_loop3A_90 : i32
        %parallel_loop3A_92 = arith.index_cast %parallel_loop3A_91 : i32 to index
        %parallel_loop3A_93 = tpu.vector_load %arg10[%parallel_loop3A_92] {strides = array<i32>} : memref<2048xf32, #tpu.memory_space<vmem>>, vector<16xf32>,
        tpu.vector_store %arg10[%parallel_loop3A_92], %parallel_loop3A_87 {strides = array<i32>} : memref<2048xf32, #tpu.memory_space<vmem>>, vector<16xf32>,
        %parallel_loop3A_94 = arith.constant 0.000000e+00 : f32
        %parallel_loop3A_95 = vector.broadcast %parallel_loop3A_94 : f32 to vector<16xf32>
        %parallel_loop3A_96 = arith.constant 128 : i32
        %parallel_loop3A_97 = arith.muli %parallel_loop3A_77, %parallel_loop3A_96 : i32
        %parallel_loop3A_98 = arith.constant 32 : i32
        %parallel_loop3A_99 = arith.addi %parallel_loop3A_97, %parallel_loop3A_98 : i32
        %parallel_loop3A_100 = arith.index_cast %parallel_loop3A_99 : i32 to index
        %parallel_loop3A_101 = tpu.vector_load %arg10[%parallel_loop3A_100] {strides = array<i32>} : memref<2048xf32, #tpu.memory_space<vmem>>, vector<16xf32>,
        tpu.vector_store %arg10[%parallel_loop3A_100], %parallel_loop3A_95 {strides = array<i32>} : memref<2048xf32, #tpu.memory_space<vmem>>, vector<16xf32>,
        %parallel_loop3A_102 = arith.constant 0.000000e+00 : f32
        %parallel_loop3A_103 = vector.broadcast %parallel_loop3A_102 : f32 to vector<16xf32>
        %parallel_loop3A_104 = arith.constant 128 : i32
        %parallel_loop3A_105 = arith.muli %parallel_loop3A_77, %parallel_loop3A_104 : i32
        %parallel_loop3A_106 = arith.constant 48 : i32
        %parallel_loop3A_107 = arith.addi %parallel_loop3A_105, %parallel_loop3A_106 : i32
        %parallel_loop3A_108 = arith.index_cast %parallel_loop3A_107 : i32 to index
        %parallel_loop3A_109 = tpu.vector_load %arg10[%parallel_loop3A_108] {strides = array<i32>} : memref<2048xf32, #tpu.memory_space<vmem>>, vector<16xf32>,
        tpu.vector_store %arg10[%parallel_loop3A_108], %parallel_loop3A_103 {strides = array<i32>} : memref<2048xf32, #tpu.memory_space<vmem>>, vector<16xf32>,
        %parallel_loop3A_110 = arith.constant 0.000000e+00 : f32
        %parallel_loop3A_111 = vector.broadcast %parallel_loop3A_110 : f32 to vector<16xf32>
        %parallel_loop3A_112 = arith.constant 128 : i32
        %parallel_loop3A_113 = arith.muli %parallel_loop3A_77, %parallel_loop3A_112 : i32
        %parallel_loop3A_114 = arith.constant 64 : i32
        %parallel_loop3A_115 = arith.addi %parallel_loop3A_113, %parallel_loop3A_114 : i32
        %parallel_loop3A_116 = arith.index_cast %parallel_loop3A_115 : i32 to index
        %parallel_loop3A_117 = tpu.vector_load %arg10[%parallel_loop3A_116] {strides = array<i32>} : memref<2048xf32, #tpu.memory_space<vmem>>, vector<16xf32>,
        tpu.vector_store %arg10[%parallel_loop3A_116], %parallel_loop3A_111 {strides = array<i32>} : memref<2048xf32, #tpu.memory_space<vmem>>, vector<16xf32>,
        %parallel_loop3A_118 = arith.constant 0.000000e+00 : f32
        %parallel_loop3A_119 = vector.broadcast %parallel_loop3A_118 : f32 to vector<16xf32>
        %parallel_loop3A_120 = arith.constant 128 : i32
        %parallel_loop3A_121 = arith.muli %parallel_loop3A_77, %parallel_loop3A_120 : i32
        %parallel_loop3A_122 = arith.constant 80 : i32
        %parallel_loop3A_123 = arith.addi %parallel_loop3A_121, %parallel_loop3A_122 : i32
        %parallel_loop3A_124 = arith.index_cast %parallel_loop3A_123 : i32 to index
        %parallel_loop3A_125 = tpu.vector_load %arg10[%parallel_loop3A_124] {strides = array<i32>} : memref<2048xf32, #tpu.memory_space<vmem>>, vector<16xf32>,
        tpu.vector_store %arg10[%parallel_loop3A_124], %parallel_loop3A_119 {strides = array<i32>} : memref<2048xf32, #tpu.memory_space<vmem>>, vector<16xf32>,
        %parallel_loop3A_126 = arith.constant 0.000000e+00 : f32
        %parallel_loop3A_127 = vector.broadcast %parallel_loop3A_126 : f32 to vector<16xf32>
        %parallel_loop3A_128 = arith.constant 128 : i32
        %parallel_loop3A_129 = arith.muli %parallel_loop3A_77, %parallel_loop3A_128 : i32
        %parallel_loop3A_130 = arith.constant 96 : i32
        %parallel_loop3A_131 = arith.addi %parallel_loop3A_129, %parallel_loop3A_130 : i32
        %parallel_loop3A_132 = arith.index_cast %parallel_loop3A_131 : i32 to index
        %parallel_loop3A_133 = tpu.vector_load %arg10[%parallel_loop3A_132] {strides = array<i32>} : memref<2048xf32, #tpu.memory_space<vmem>>, vector<16xf32>,
        tpu.vector_store %arg10[%parallel_loop3A_132], %parallel_loop3A_127 {strides = array<i32>} : memref<2048xf32, #tpu.memory_space<vmem>>, vector<16xf32>,
        %parallel_loop3A_134 = arith.constant 0.000000e+00 : f32
        %parallel_loop3A_135 = vector.broadcast %parallel_loop3A_134 : f32 to vector<16xf32>
        %parallel_loop3A_136 = arith.constant 128 : i32
        %parallel_loop3A_137 = arith.muli %parallel_loop3A_77, %parallel_loop3A_136 : i32
        %parallel_loop3A_138 = arith.constant 112 : i32
        %parallel_loop3A_139 = arith.addi %parallel_loop3A_137, %parallel_loop3A_138 : i32
        %parallel_loop3A_140 = arith.index_cast %parallel_loop3A_139 : i32 to index
        %parallel_loop3A_141 = tpu.vector_load %arg10[%parallel_loop3A_140] {strides = array<i32>} : memref<2048xf32, #tpu.memory_space<vmem>>, vector<16xf32>,
        tpu.vector_store %arg10[%parallel_loop3A_140], %parallel_loop3A_135 {strides = array<i32>} : memref<2048xf32, #tpu.memory_space<vmem>>, vector<16xf32>,
      } {sc.loop_unroll_factor = 1 : i64, sc.parallel_access}
      %mul3A_49 = arith.constant 2048 : i32
      %mul3A_50 = arith.muli %select_n3A_28, %mul3A_49 : i32
      %dma_start3A = arith.constant 0 : i32
      %dma_start3A_51 = tpu.memref_slice %arg2[%min3A_35, %dma_start3A, %mul3A_50] : memref<32x128x8192xf32, #tpu.memory_space<hbm>> -> memref<1x4x2048xf32, #tpu.memory_space<hbm>>
      %dma_start3A_52 = tpu.memref_squeeze %dma_start3A_51 : memref<1x4x2048xf32, #tpu.memory_space<hbm>> -> memref<4x2048xf32, #tpu.memory_space<hbm>>
      %dma_start3A_53 = arith.constant 0 : i32
      %dma_start3A_54 = tpu.memref_slice %arg2[%min3A_35, %dma_start3A_53, %mul3A_50] : memref<32x128x8192xf32, #tpu.memory_space<hbm>> -> memref<1x4x2048xf32, #tpu.memory_space<hbm>>
      %dma_start3A_55 = tpu.memref_squeeze %dma_start3A_54 : memref<1x4x2048xf32, #tpu.memory_space<hbm>> -> memref<4x2048xf32, #tpu.memory_space<hbm>>
      tpu.enqueue_dma source(%dma_start3A_55 : memref<4x2048xf32, #tpu.memory_space<hbm>>) target(%arg6 : memref<4x2048xf32, #tpu.memory_space<vmem>>) target_semaphore(%arg14 : memref<!tpu.dma_semaphore, #tpu.memory_space<semaphore_mem>>)
      %mul3A_56 = arith.constant 2048 : i32
      %mul3A_57 = arith.muli %select_n3A_28, %mul3A_56 : i32
      %dma_start3A_58 = arith.constant 4 : i32
      %dma_start3A_59 = tpu.memref_slice %arg2[%min3A_35, %dma_start3A_58, %mul3A_57] : memref<32x128x8192xf32, #tpu.memory_space<hbm>> -> memref<1x4x2048xf32, #tpu.memory_space<hbm>>
      %dma_start3A_60 = tpu.memref_squeeze %dma_start3A_59 : memref<1x4x2048xf32, #tpu.memory_space<hbm>> -> memref<4x2048xf32, #tpu.memory_space<hbm>>
      %dma_start3A_61 = arith.constant 4 : i32
      %dma_start3A_62 = tpu.memref_slice %arg2[%min3A_35, %dma_start3A_61, %mul3A_57] : memref<32x128x8192xf32, #tpu.memory_space<hbm>> -> memref<1x4x2048xf32, #tpu.memory_space<hbm>>
      %dma_start3A_63 = tpu.memref_squeeze %dma_start3A_62 : memref<1x4x2048xf32, #tpu.memory_space<hbm>> -> memref<4x2048xf32, #tpu.memory_space<hbm>>
      tpu.enqueue_dma source(%dma_start3A_63 : memref<4x2048xf32, #tpu.memory_space<hbm>>) target(%arg7 : memref<4x2048xf32, #tpu.memory_space<vmem>>) target_semaphore(%arg15 : memref<!tpu.dma_semaphore, #tpu.memory_space<semaphore_mem>>)
      %scan3A = arith.constant 0 : i32
      %scan3A_64 = arith.constant 0 : i32
      %scan3A_65 = arith.constant 16 : i32
      %scan3A_66 = arith.addi %scan3A_64, %scan3A_65 : i32
      %scan3A_67 = arith.constant 1 : i32
      scf.for %scan3A_77 = %scan3A_64 to %scan3A_66 step %scan3A_67  : i32 {
        %mul3A_78 = arith.constant 2 : i32
        %mul3A_79 = arith.muli %mul3A_78, %scan3A_77 : i32
        %mul3A_80 = arith.constant 8 : i32
        %mul3A_81 = arith.muli %scan3A_77, %mul3A_80 : i32
        %get3A_82 = arith.index_cast %mul3A_81 : i32 to index
        %get3A_83 = tpu.vector_load %arg8[%get3A_82] {strides = array<i32>} : memref<144xf32, #tpu.memory_space<vmem>>, vector<16xf32>,
        %mul3A_84 = arith.constant 4 : i32
        %mul3A_85 = arith.muli %mul3A_79, %mul3A_84 : i32
        %mul3A_86 = arith.constant 2048 : i32
        %mul3A_87 = arith.muli %select_n3A_28, %mul3A_86 : i32
        %dma_wait3A = tpu.memref_slice %arg2[%min3A_35, %mul3A_85, %mul3A_87] : memref<32x128x8192xf32, #tpu.memory_space<hbm>> -> memref<1x4x2048xf32, #tpu.memory_space<hbm>>
        %dma_wait3A_88 = tpu.memref_squeeze %dma_wait3A : memref<1x4x2048xf32, #tpu.memory_space<hbm>> -> memref<4x2048xf32, #tpu.memory_space<hbm>>
        %dma_wait3A_89 = tpu.memref_slice %arg2[%min3A_35, %mul3A_85, %mul3A_87] : memref<32x128x8192xf32, #tpu.memory_space<hbm>> -> memref<1x4x2048xf32, #tpu.memory_space<hbm>>
        %dma_wait3A_90 = tpu.memref_squeeze %dma_wait3A_89 : memref<1x4x2048xf32, #tpu.memory_space<hbm>> -> memref<4x2048xf32, #tpu.memory_space<hbm>>
        tpu.wait_dma2 semaphore(%arg14 : memref<!tpu.dma_semaphore, #tpu.memory_space<semaphore_mem>>) src(%dma_wait3A_90 : memref<4x2048xf32, #tpu.memory_space<hbm>>) dst(%arg6 : memref<4x2048xf32, #tpu.memory_space<vmem>>)
        %slice3A_91 = vector.extract_strided_slice %get3A_83 {offsets = [0], sizes = [1], strides = [1]} : vector<16xf32> to vector<1xf32>
        %squeeze3A_92 = vector.extract %slice3A_91[0] : f32 from vector<1xf32>
        %slice3A_93 = vector.extract_strided_slice %get3A_83 {offsets = [1], sizes = [1], strides = [1]} : vector<16xf32> to vector<1xf32>
        %squeeze3A_94 = vector.extract %slice3A_93[0] : f32 from vector<1xf32>
        %slice3A_95 = vector.extract_strided_slice %get3A_83 {offsets = [2], sizes = [1], strides = [1]} : vector<16xf32> to vector<1xf32>
        %squeeze3A_96 = vector.extract %slice3A_95[0] : f32 from vector<1xf32>
        %slice3A_97 = vector.extract_strided_slice %get3A_83 {offsets = [3], sizes = [1], strides = [1]} : vector<16xf32> to vector<1xf32>
        %squeeze3A_98 = vector.extract %slice3A_97[0] : f32 from vector<1xf32>
        %parallel_loop3A_99 = arith.constant 0 : i32
        %parallel_loop3A_100 = arith.constant 16 : i32
        %parallel_loop3A_101 = arith.constant 1 : i32
        scf.for %parallel_loop3A_133 = %parallel_loop3A_99 to %parallel_loop3A_100 step %parallel_loop3A_101  : i32 {
          %parallel_loop3A_134 = arith.constant 128 : i32
          %parallel_loop3A_135 = arith.muli %parallel_loop3A_133, %parallel_loop3A_134 : i32
          %parallel_loop3A_136 = arith.constant 0 : i32
          %parallel_loop3A_137 = arith.addi %parallel_loop3A_135, %parallel_loop3A_136 : i32
          %parallel_loop3A_138 = arith.constant 0 : i32
          %parallel_loop3A_139 = arith.index_cast %parallel_loop3A_138 : i32 to index
          %parallel_loop3A_140 = arith.index_cast %parallel_loop3A_137 : i32 to index
          %parallel_loop3A_141 = tpu.vector_load %arg6[%parallel_loop3A_139, %parallel_loop3A_140] {strides = array<i32>} : memref<4x2048xf32, #tpu.memory_space<vmem>>, vector<16xf32>,
          %parallel_loop3A_142 = vector.broadcast %squeeze3A_92 : f32 to vector<16xf32>
          %parallel_loop3A_143 = arith.mulf %parallel_loop3A_141, %parallel_loop3A_142 : vector<16xf32>
          %parallel_loop3A_144 = arith.constant 1 : i32
          %parallel_loop3A_145 = arith.index_cast %parallel_loop3A_144 : i32 to index
          %parallel_loop3A_146 = arith.index_cast %parallel_loop3A_137 : i32 to index
          %parallel_loop3A_147 = tpu.vector_load %arg6[%parallel_loop3A_145, %parallel_loop3A_146] {strides = array<i32>} : memref<4x2048xf32, #tpu.memory_space<vmem>>, vector<16xf32>,
          %parallel_loop3A_148 = vector.broadcast %squeeze3A_94 : f32 to vector<16xf32>
          %parallel_loop3A_149 = arith.mulf %parallel_loop3A_147, %parallel_loop3A_148 : vector<16xf32>
          %parallel_loop3A_150 = arith.addf %parallel_loop3A_143, %parallel_loop3A_149 : vector<16xf32>
          %parallel_loop3A_151 = arith.constant 2 : i32
          %parallel_loop3A_152 = arith.index_cast %parallel_loop3A_151 : i32 to index
          %parallel_loop3A_153 = arith.index_cast %parallel_loop3A_137 : i32 to index
          %parallel_loop3A_154 = tpu.vector_load %arg6[%parallel_loop3A_152, %parallel_loop3A_153] {strides = array<i32>} : memref<4x2048xf32, #tpu.memory_space<vmem>>, vector<16xf32>,
          %parallel_loop3A_155 = vector.broadcast %squeeze3A_96 : f32 to vector<16xf32>
          %parallel_loop3A_156 = arith.mulf %parallel_loop3A_154, %parallel_loop3A_155 : vector<16xf32>
          %parallel_loop3A_157 = arith.constant 3 : i32
          %parallel_loop3A_158 = arith.index_cast %parallel_loop3A_157 : i32 to index
          %parallel_loop3A_159 = arith.index_cast %parallel_loop3A_137 : i32 to index
          %parallel_loop3A_160 = tpu.vector_load %arg6[%parallel_loop3A_158, %parallel_loop3A_159] {strides = array<i32>} : memref<4x2048xf32, #tpu.memory_space<vmem>>, vector<16xf32>,
          %parallel_loop3A_161 = vector.broadcast %squeeze3A_98 : f32 to vector<16xf32>
          %parallel_loop3A_162 = arith.mulf %parallel_loop3A_160, %parallel_loop3A_161 : vector<16xf32>
          %parallel_loop3A_163 = arith.addf %parallel_loop3A_156, %parallel_loop3A_162 : vector<16xf32>
          %parallel_loop3A_164 = arith.addf %parallel_loop3A_150, %parallel_loop3A_163 : vector<16xf32>
          %parallel_loop3A_165 = arith.index_cast %parallel_loop3A_137 : i32 to index
          %parallel_loop3A_166 = tpu.vector_load %arg10[%parallel_loop3A_165] {strides = array<i32>} : memref<2048xf32, #tpu.memory_space<vmem>>, vector<16xf32>,
          tpu.vector_store %arg10[%parallel_loop3A_165], %parallel_loop3A_164 {add = true, strides = array<i32>} : memref<2048xf32, #tpu.memory_space<vmem>>, vector<16xf32>,
          %parallel_loop3A_167 = arith.constant 128 : i32
          %parallel_loop3A_168 = arith.muli %parallel_loop3A_133, %parallel_loop3A_167 : i32
          %parallel_loop3A_169 = arith.constant 16 : i32
          %parallel_loop3A_170 = arith.addi %parallel_loop3A_168, %parallel_loop3A_169 : i32
          %parallel_loop3A_171 = arith.constant 0 : i32
          %parallel_loop3A_172 = arith.index_cast %parallel_loop3A_171 : i32 to index
          %parallel_loop3A_173 = arith.index_cast %parallel_loop3A_170 : i32 to index
          %parallel_loop3A_174 = tpu.vector_load %arg6[%parallel_loop3A_172, %parallel_loop3A_173] {strides = array<i32>} : memref<4x2048xf32, #tpu.memory_space<vmem>>, vector<16xf32>,
          %parallel_loop3A_175 = vector.broadcast %squeeze3A_92 : f32 to vector<16xf32>
          %parallel_loop3A_176 = arith.mulf %parallel_loop3A_174, %parallel_loop3A_175 : vector<16xf32>
          %parallel_loop3A_177 = arith.constant 1 : i32
          %parallel_loop3A_178 = arith.index_cast %parallel_loop3A_177 : i32 to index
          %parallel_loop3A_179 = arith.index_cast %parallel_loop3A_170 : i32 to index
          %parallel_loop3A_180 = tpu.vector_load %arg6[%parallel_loop3A_178, %parallel_loop3A_179] {strides = array<i32>} : memref<4x2048xf32, #tpu.memory_space<vmem>>, vector<16xf32>,
          %parallel_loop3A_181 = vector.broadcast %squeeze3A_94 : f32 to vector<16xf32>
          %parallel_loop3A_182 = arith.mulf %parallel_loop3A_180, %parallel_loop3A_181 : vector<16xf32>
          %parallel_loop3A_183 = arith.addf %parallel_loop3A_176, %parallel_loop3A_182 : vector<16xf32>
          %parallel_loop3A_184 = arith.constant 2 : i32
          %parallel_loop3A_185 = arith.index_cast %parallel_loop3A_184 : i32 to index
          %parallel_loop3A_186 = arith.index_cast %parallel_loop3A_170 : i32 to index
          %parallel_loop3A_187 = tpu.vector_load %arg6[%parallel_loop3A_185, %parallel_loop3A_186] {strides = array<i32>} : memref<4x2048xf32, #tpu.memory_space<vmem>>, vector<16xf32>,
          %parallel_loop3A_188 = vector.broadcast %squeeze3A_96 : f32 to vector<16xf32>
          %parallel_loop3A_189 = arith.mulf %parallel_loop3A_187, %parallel_loop3A_188 : vector<16xf32>
          %parallel_loop3A_190 = arith.constant 3 : i32
          %parallel_loop3A_191 = arith.index_cast %parallel_loop3A_190 : i32 to index
          %parallel_loop3A_192 = arith.index_cast %parallel_loop3A_170 : i32 to index
          %parallel_loop3A_193 = tpu.vector_load %arg6[%parallel_loop3A_191, %parallel_loop3A_192] {strides = array<i32>} : memref<4x2048xf32, #tpu.memory_space<vmem>>, vector<16xf32>,
          %parallel_loop3A_194 = vector.broadcast %squeeze3A_98 : f32 to vector<16xf32>
          %parallel_loop3A_195 = arith.mulf %parallel_loop3A_193, %parallel_loop3A_194 : vector<16xf32>
          %parallel_loop3A_196 = arith.addf %parallel_loop3A_189, %parallel_loop3A_195 : vector<16xf32>
          %parallel_loop3A_197 = arith.addf %parallel_loop3A_183, %parallel_loop3A_196 : vector<16xf32>
          %parallel_loop3A_198 = arith.index_cast %parallel_loop3A_170 : i32 to index
          %parallel_loop3A_199 = tpu.vector_load %arg10[%parallel_loop3A_198] {strides = array<i32>} : memref<2048xf32, #tpu.memory_space<vmem>>, vector<16xf32>,
          tpu.vector_store %arg10[%parallel_loop3A_198], %parallel_loop3A_197 {add = true, strides = array<i32>} : memref<2048xf32, #tpu.memory_space<vmem>>, vector<16xf32>,
          %parallel_loop3A_200 = arith.constant 128 : i32
          %parallel_loop3A_201 = arith.muli %parallel_loop3A_133, %parallel_loop3A_200 : i32
          %parallel_loop3A_202 = arith.constant 32 : i32
          %parallel_loop3A_203 = arith.addi %parallel_loop3A_201, %parallel_loop3A_202 : i32
          %parallel_loop3A_204 = arith.constant 0 : i32
          %parallel_loop3A_205 = arith.index_cast %parallel_loop3A_204 : i32 to index
          %parallel_loop3A_206 = arith.index_cast %parallel_loop3A_203 : i32 to index
          %parallel_loop3A_207 = tpu.vector_load %arg6[%parallel_loop3A_205, %parallel_loop3A_206] {strides = array<i32>} : memref<4x2048xf32, #tpu.memory_space<vmem>>, vector<16xf32>,
          %parallel_loop3A_208 = vector.broadcast %squeeze3A_92 : f32 to vector<16xf32>
          %parallel_loop3A_209 = arith.mulf %parallel_loop3A_207, %parallel_loop3A_208 : vector<16xf32>
          %parallel_loop3A_210 = arith.constant 1 : i32
          %parallel_loop3A_211 = arith.index_cast %parallel_loop3A_210 : i32 to index
          %parallel_loop3A_212 = arith.index_cast %parallel_loop3A_203 : i32 to index
          %parallel_loop3A_213 = tpu.vector_load %arg6[%parallel_loop3A_211, %parallel_loop3A_212] {strides = array<i32>} : memref<4x2048xf32, #tpu.memory_space<vmem>>, vector<16xf32>,
          %parallel_loop3A_214 = vector.broadcast %squeeze3A_94 : f32 to vector<16xf32>
          %parallel_loop3A_215 = arith.mulf %parallel_loop3A_213, %parallel_loop3A_214 : vector<16xf32>
          %parallel_loop3A_216 = arith.addf %parallel_loop3A_209, %parallel_loop3A_215 : vector<16xf32>
          %parallel_loop3A_217 = arith.constant 2 : i32
          %parallel_loop3A_218 = arith.index_cast %parallel_loop3A_217 : i32 to index
          %parallel_loop3A_219 = arith.index_cast %parallel_loop3A_203 : i32 to index
          %parallel_loop3A_220 = tpu.vector_load %arg6[%parallel_loop3A_218, %parallel_loop3A_219] {strides = array<i32>} : memref<4x2048xf32, #tpu.memory_space<vmem>>, vector<16xf32>,
          %parallel_loop3A_221 = vector.broadcast %squeeze3A_96 : f32 to vector<16xf32>
          %parallel_loop3A_222 = arith.mulf %parallel_loop3A_220, %parallel_loop3A_221 : vector<16xf32>
          %parallel_loop3A_223 = arith.constant 3 : i32
          %parallel_loop3A_224 = arith.index_cast %parallel_loop3A_223 : i32 to index
          %parallel_loop3A_225 = arith.index_cast %parallel_loop3A_203 : i32 to index
          %parallel_loop3A_226 = tpu.vector_load %arg6[%parallel_loop3A_224, %parallel_loop3A_225] {strides = array<i32>} : memref<4x2048xf32, #tpu.memory_space<vmem>>, vector<16xf32>,
          %parallel_loop3A_227 = vector.broadcast %squeeze3A_98 : f32 to vector<16xf32>
          %parallel_loop3A_228 = arith.mulf %parallel_loop3A_226, %parallel_loop3A_227 : vector<16xf32>
          %parallel_loop3A_229 = arith.addf %parallel_loop3A_222, %parallel_loop3A_228 : vector<16xf32>
          %parallel_loop3A_230 = arith.addf %parallel_loop3A_216, %parallel_loop3A_229 : vector<16xf32>
          %parallel_loop3A_231 = arith.index_cast %parallel_loop3A_203 : i32 to index
          %parallel_loop3A_232 = tpu.vector_load %arg10[%parallel_loop3A_231] {strides = array<i32>} : memref<2048xf32, #tpu.memory_space<vmem>>, vector<16xf32>,
          tpu.vector_store %arg10[%parallel_loop3A_231], %parallel_loop3A_230 {add = true, strides = array<i32>} : memref<2048xf32, #tpu.memory_space<vmem>>, vector<16xf32>,
          %parallel_loop3A_233 = arith.constant 128 : i32
          %parallel_loop3A_234 = arith.muli %parallel_loop3A_133, %parallel_loop3A_233 : i32
          %parallel_loop3A_235 = arith.constant 48 : i32
          %parallel_loop3A_236 = arith.addi %parallel_loop3A_234, %parallel_loop3A_235 : i32
          %parallel_loop3A_237 = arith.constant 0 : i32
          %parallel_loop3A_238 = arith.index_cast %parallel_loop3A_237 : i32 to index
          %parallel_loop3A_239 = arith.index_cast %parallel_loop3A_236 : i32 to index
          %parallel_loop3A_240 = tpu.vector_load %arg6[%parallel_loop3A_238, %parallel_loop3A_239] {strides = array<i32>} : memref<4x2048xf32, #tpu.memory_space<vmem>>, vector<16xf32>,
          %parallel_loop3A_241 = vector.broadcast %squeeze3A_92 : f32 to vector<16xf32>
          %parallel_loop3A_242 = arith.mulf %parallel_loop3A_240, %parallel_loop3A_241 : vector<16xf32>
          %parallel_loop3A_243 = arith.constant 1 : i32
          %parallel_loop3A_244 = arith.index_cast %parallel_loop3A_243 : i32 to index
          %parallel_loop3A_245 = arith.index_cast %parallel_loop3A_236 : i32 to index
          %parallel_loop3A_246 = tpu.vector_load %arg6[%parallel_loop3A_244, %parallel_loop3A_245] {strides = array<i32>} : memref<4x2048xf32, #tpu.memory_space<vmem>>, vector<16xf32>,
          %parallel_loop3A_247 = vector.broadcast %squeeze3A_94 : f32 to vector<16xf32>
          %parallel_loop3A_248 = arith.mulf %parallel_loop3A_246, %parallel_loop3A_247 : vector<16xf32>
          %parallel_loop3A_249 = arith.addf %parallel_loop3A_242, %parallel_loop3A_248 : vector<16xf32>
          %parallel_loop3A_250 = arith.constant 2 : i32
          %parallel_loop3A_251 = arith.index_cast %parallel_loop3A_250 : i32 to index
          %parallel_loop3A_252 = arith.index_cast %parallel_loop3A_236 : i32 to index
          %parallel_loop3A_253 = tpu.vector_load %arg6[%parallel_loop3A_251, %parallel_loop3A_252] {strides = array<i32>} : memref<4x2048xf32, #tpu.memory_space<vmem>>, vector<16xf32>,
          %parallel_loop3A_254 = vector.broadcast %squeeze3A_96 : f32 to vector<16xf32>
          %parallel_loop3A_255 = arith.mulf %parallel_loop3A_253, %parallel_loop3A_254 : vector<16xf32>
          %parallel_loop3A_256 = arith.constant 3 : i32
          %parallel_loop3A_257 = arith.index_cast %parallel_loop3A_256 : i32 to index
          %parallel_loop3A_258 = arith.index_cast %parallel_loop3A_236 : i32 to index
          %parallel_loop3A_259 = tpu.vector_load %arg6[%parallel_loop3A_257, %parallel_loop3A_258] {strides = array<i32>} : memref<4x2048xf32, #tpu.memory_space<vmem>>, vector<16xf32>,
          %parallel_loop3A_260 = vector.broadcast %squeeze3A_98 : f32 to vector<16xf32>
          %parallel_loop3A_261 = arith.mulf %parallel_loop3A_259, %parallel_loop3A_260 : vector<16xf32>
          %parallel_loop3A_262 = arith.addf %parallel_loop3A_255, %parallel_loop3A_261 : vector<16xf32>
          %parallel_loop3A_263 = arith.addf %parallel_loop3A_249, %parallel_loop3A_262 : vector<16xf32>
          %parallel_loop3A_264 = arith.index_cast %parallel_loop3A_236 : i32 to index
          %parallel_loop3A_265 = tpu.vector_load %arg10[%parallel_loop3A_264] {strides = array<i32>} : memref<2048xf32, #tpu.memory_space<vmem>>, vector<16xf32>,
          tpu.vector_store %arg10[%parallel_loop3A_264], %parallel_loop3A_263 {add = true, strides = array<i32>} : memref<2048xf32, #tpu.memory_space<vmem>>, vector<16xf32>,
          %parallel_loop3A_266 = arith.constant 128 : i32
          %parallel_loop3A_267 = arith.muli %parallel_loop3A_133, %parallel_loop3A_266 : i32
          %parallel_loop3A_268 = arith.constant 64 : i32
          %parallel_loop3A_269 = arith.addi %parallel_loop3A_267, %parallel_loop3A_268 : i32
          %parallel_loop3A_270 = arith.constant 0 : i32
          %parallel_loop3A_271 = arith.index_cast %parallel_loop3A_270 : i32 to index
          %parallel_loop3A_272 = arith.index_cast %parallel_loop3A_269 : i32 to index
          %parallel_loop3A_273 = tpu.vector_load %arg6[%parallel_loop3A_271, %parallel_loop3A_272] {strides = array<i32>} : memref<4x2048xf32, #tpu.memory_space<vmem>>, vector<16xf32>,
          %parallel_loop3A_274 = vector.broadcast %squeeze3A_92 : f32 to vector<16xf32>
          %parallel_loop3A_275 = arith.mulf %parallel_loop3A_273, %parallel_loop3A_274 : vector<16xf32>
          %parallel_loop3A_276 = arith.constant 1 : i32
          %parallel_loop3A_277 = arith.index_cast %parallel_loop3A_276 : i32 to index
          %parallel_loop3A_278 = arith.index_cast %parallel_loop3A_269 : i32 to index
          %parallel_loop3A_279 = tpu.vector_load %arg6[%parallel_loop3A_277, %parallel_loop3A_278] {strides = array<i32>} : memref<4x2048xf32, #tpu.memory_space<vmem>>, vector<16xf32>,
          %parallel_loop3A_280 = vector.broadcast %squeeze3A_94 : f32 to vector<16xf32>
          %parallel_loop3A_281 = arith.mulf %parallel_loop3A_279, %parallel_loop3A_280 : vector<16xf32>
          %parallel_loop3A_282 = arith.addf %parallel_loop3A_275, %parallel_loop3A_281 : vector<16xf32>
          %parallel_loop3A_283 = arith.constant 2 : i32
          %parallel_loop3A_284 = arith.index_cast %parallel_loop3A_283 : i32 to index
          %parallel_loop3A_285 = arith.index_cast %parallel_loop3A_269 : i32 to index
          %parallel_loop3A_286 = tpu.vector_load %arg6[%parallel_loop3A_284, %parallel_loop3A_285] {strides = array<i32>} : memref<4x2048xf32, #tpu.memory_space<vmem>>, vector<16xf32>,
          %parallel_loop3A_287 = vector.broadcast %squeeze3A_96 : f32 to vector<16xf32>
          %parallel_loop3A_288 = arith.mulf %parallel_loop3A_286, %parallel_loop3A_287 : vector<16xf32>
          %parallel_loop3A_289 = arith.constant 3 : i32
          %parallel_loop3A_290 = arith.index_cast %parallel_loop3A_289 : i32 to index
          %parallel_loop3A_291 = arith.index_cast %parallel_loop3A_269 : i32 to index
          %parallel_loop3A_292 = tpu.vector_load %arg6[%parallel_loop3A_290, %parallel_loop3A_291] {strides = array<i32>} : memref<4x2048xf32, #tpu.memory_space<vmem>>, vector<16xf32>,
          %parallel_loop3A_293 = vector.broadcast %squeeze3A_98 : f32 to vector<16xf32>
          %parallel_loop3A_294 = arith.mulf %parallel_loop3A_292, %parallel_loop3A_293 : vector<16xf32>
          %parallel_loop3A_295 = arith.addf %parallel_loop3A_288, %parallel_loop3A_294 : vector<16xf32>
          %parallel_loop3A_296 = arith.addf %parallel_loop3A_282, %parallel_loop3A_295 : vector<16xf32>
          %parallel_loop3A_297 = arith.index_cast %parallel_loop3A_269 : i32 to index
          %parallel_loop3A_298 = tpu.vector_load %arg10[%parallel_loop3A_297] {strides = array<i32>} : memref<2048xf32, #tpu.memory_space<vmem>>, vector<16xf32>,
          tpu.vector_store %arg10[%parallel_loop3A_297], %parallel_loop3A_296 {add = true, strides = array<i32>} : memref<2048xf32, #tpu.memory_space<vmem>>, vector<16xf32>,
          %parallel_loop3A_299 = arith.constant 128 : i32
          %parallel_loop3A_300 = arith.muli %parallel_loop3A_133, %parallel_loop3A_299 : i32
          %parallel_loop3A_301 = arith.constant 80 : i32
          %parallel_loop3A_302 = arith.addi %parallel_loop3A_300, %parallel_loop3A_301 : i32
          %parallel_loop3A_303 = arith.constant 0 : i32
          %parallel_loop3A_304 = arith.index_cast %parallel_loop3A_303 : i32 to index
          %parallel_loop3A_305 = arith.index_cast %parallel_loop3A_302 : i32 to index
          %parallel_loop3A_306 = tpu.vector_load %arg6[%parallel_loop3A_304, %parallel_loop3A_305] {strides = array<i32>} : memref<4x2048xf32, #tpu.memory_space<vmem>>, vector<16xf32>,
          %parallel_loop3A_307 = vector.broadcast %squeeze3A_92 : f32 to vector<16xf32>
          %parallel_loop3A_308 = arith.mulf %parallel_loop3A_306, %parallel_loop3A_307 : vector<16xf32>
          %parallel_loop3A_309 = arith.constant 1 : i32
          %parallel_loop3A_310 = arith.index_cast %parallel_loop3A_309 : i32 to index
          %parallel_loop3A_311 = arith.index_cast %parallel_loop3A_302 : i32 to index
          %parallel_loop3A_312 = tpu.vector_load %arg6[%parallel_loop3A_310, %parallel_loop3A_311] {strides = array<i32>} : memref<4x2048xf32, #tpu.memory_space<vmem>>, vector<16xf32>,
          %parallel_loop3A_313 = vector.broadcast %squeeze3A_94 : f32 to vector<16xf32>
          %parallel_loop3A_314 = arith.mulf %parallel_loop3A_312, %parallel_loop3A_313 : vector<16xf32>
          %parallel_loop3A_315 = arith.addf %parallel_loop3A_308, %parallel_loop3A_314 : vector<16xf32>
          %parallel_loop3A_316 = arith.constant 2 : i32
          %parallel_loop3A_317 = arith.index_cast %parallel_loop3A_316 : i32 to index
          %parallel_loop3A_318 = arith.index_cast %parallel_loop3A_302 : i32 to index
          %parallel_loop3A_319 = tpu.vector_load %arg6[%parallel_loop3A_317, %parallel_loop3A_318] {strides = array<i32>} : memref<4x2048xf32, #tpu.memory_space<vmem>>, vector<16xf32>,
          %parallel_loop3A_320 = vector.broadcast %squeeze3A_96 : f32 to vector<16xf32>
          %parallel_loop3A_321 = arith.mulf %parallel_loop3A_319, %parallel_loop3A_320 : vector<16xf32>
          %parallel_loop3A_322 = arith.constant 3 : i32
          %parallel_loop3A_323 = arith.index_cast %parallel_loop3A_322 : i32 to index
          %parallel_loop3A_324 = arith.index_cast %parallel_loop3A_302 : i32 to index
          %parallel_loop3A_325 = tpu.vector_load %arg6[%parallel_loop3A_323, %parallel_loop3A_324] {strides = array<i32>} : memref<4x2048xf32, #tpu.memory_space<vmem>>, vector<16xf32>,
          %parallel_loop3A_326 = vector.broadcast %squeeze3A_98 : f32 to vector<16xf32>
          %parallel_loop3A_327 = arith.mulf %parallel_loop3A_325, %parallel_loop3A_326 : vector<16xf32>
          %parallel_loop3A_328 = arith.addf %parallel_loop3A_321, %parallel_loop3A_327 : vector<16xf32>
          %parallel_loop3A_329 = arith.addf %parallel_loop3A_315, %parallel_loop3A_328 : vector<16xf32>
          %parallel_loop3A_330 = arith.index_cast %parallel_loop3A_302 : i32 to index
          %parallel_loop3A_331 = tpu.vector_load %arg10[%parallel_loop3A_330] {strides = array<i32>} : memref<2048xf32, #tpu.memory_space<vmem>>, vector<16xf32>,
          tpu.vector_store %arg10[%parallel_loop3A_330], %parallel_loop3A_329 {add = true, strides = array<i32>} : memref<2048xf32, #tpu.memory_space<vmem>>, vector<16xf32>,
          %parallel_loop3A_332 = arith.constant 128 : i32
          %parallel_loop3A_333 = arith.muli %parallel_loop3A_133, %parallel_loop3A_332 : i32
          %parallel_loop3A_334 = arith.constant 96 : i32
          %parallel_loop3A_335 = arith.addi %parallel_loop3A_333, %parallel_loop3A_334 : i32
          %parallel_loop3A_336 = arith.constant 0 : i32
          %parallel_loop3A_337 = arith.index_cast %parallel_loop3A_336 : i32 to index
          %parallel_loop3A_338 = arith.index_cast %parallel_loop3A_335 : i32 to index
          %parallel_loop3A_339 = tpu.vector_load %arg6[%parallel_loop3A_337, %parallel_loop3A_338] {strides = array<i32>} : memref<4x2048xf32, #tpu.memory_space<vmem>>, vector<16xf32>,
          %parallel_loop3A_340 = vector.broadcast %squeeze3A_92 : f32 to vector<16xf32>
          %parallel_loop3A_341 = arith.mulf %parallel_loop3A_339, %parallel_loop3A_340 : vector<16xf32>
          %parallel_loop3A_342 = arith.constant 1 : i32
          %parallel_loop3A_343 = arith.index_cast %parallel_loop3A_342 : i32 to index
          %parallel_loop3A_344 = arith.index_cast %parallel_loop3A_335 : i32 to index
          %parallel_loop3A_345 = tpu.vector_load %arg6[%parallel_loop3A_343, %parallel_loop3A_344] {strides = array<i32>} : memref<4x2048xf32, #tpu.memory_space<vmem>>, vector<16xf32>,
          %parallel_loop3A_346 = vector.broadcast %squeeze3A_94 : f32 to vector<16xf32>
          %parallel_loop3A_347 = arith.mulf %parallel_loop3A_345, %parallel_loop3A_346 : vector<16xf32>
          %parallel_loop3A_348 = arith.addf %parallel_loop3A_341, %parallel_loop3A_347 : vector<16xf32>
          %parallel_loop3A_349 = arith.constant 2 : i32
          %parallel_loop3A_350 = arith.index_cast %parallel_loop3A_349 : i32 to index
          %parallel_loop3A_351 = arith.index_cast %parallel_loop3A_335 : i32 to index
          %parallel_loop3A_352 = tpu.vector_load %arg6[%parallel_loop3A_350, %parallel_loop3A_351] {strides = array<i32>} : memref<4x2048xf32, #tpu.memory_space<vmem>>, vector<16xf32>,
          %parallel_loop3A_353 = vector.broadcast %squeeze3A_96 : f32 to vector<16xf32>
          %parallel_loop3A_354 = arith.mulf %parallel_loop3A_352, %parallel_loop3A_353 : vector<16xf32>
          %parallel_loop3A_355 = arith.constant 3 : i32
          %parallel_loop3A_356 = arith.index_cast %parallel_loop3A_355 : i32 to index
          %parallel_loop3A_357 = arith.index_cast %parallel_loop3A_335 : i32 to index
          %parallel_loop3A_358 = tpu.vector_load %arg6[%parallel_loop3A_356, %parallel_loop3A_357] {strides = array<i32>} : memref<4x2048xf32, #tpu.memory_space<vmem>>, vector<16xf32>,
          %parallel_loop3A_359 = vector.broadcast %squeeze3A_98 : f32 to vector<16xf32>
          %parallel_loop3A_360 = arith.mulf %parallel_loop3A_358, %parallel_loop3A_359 : vector<16xf32>
          %parallel_loop3A_361 = arith.addf %parallel_loop3A_354, %parallel_loop3A_360 : vector<16xf32>
          %parallel_loop3A_362 = arith.addf %parallel_loop3A_348, %parallel_loop3A_361 : vector<16xf32>
          %parallel_loop3A_363 = arith.index_cast %parallel_loop3A_335 : i32 to index
          %parallel_loop3A_364 = tpu.vector_load %arg10[%parallel_loop3A_363] {strides = array<i32>} : memref<2048xf32, #tpu.memory_space<vmem>>, vector<16xf32>,
          tpu.vector_store %arg10[%parallel_loop3A_363], %parallel_loop3A_362 {add = true, strides = array<i32>} : memref<2048xf32, #tpu.memory_space<vmem>>, vector<16xf32>,
          %parallel_loop3A_365 = arith.constant 128 : i32
          %parallel_loop3A_366 = arith.muli %parallel_loop3A_133, %parallel_loop3A_365 : i32
          %parallel_loop3A_367 = arith.constant 112 : i32
          %parallel_loop3A_368 = arith.addi %parallel_loop3A_366, %parallel_loop3A_367 : i32
          %parallel_loop3A_369 = arith.constant 0 : i32
          %parallel_loop3A_370 = arith.index_cast %parallel_loop3A_369 : i32 to index
          %parallel_loop3A_371 = arith.index_cast %parallel_loop3A_368 : i32 to index
          %parallel_loop3A_372 = tpu.vector_load %arg6[%parallel_loop3A_370, %parallel_loop3A_371] {strides = array<i32>} : memref<4x2048xf32, #tpu.memory_space<vmem>>, vector<16xf32>,
          %parallel_loop3A_373 = vector.broadcast %squeeze3A_92 : f32 to vector<16xf32>
          %parallel_loop3A_374 = arith.mulf %parallel_loop3A_372, %parallel_loop3A_373 : vector<16xf32>
          %parallel_loop3A_375 = arith.constant 1 : i32
          %parallel_loop3A_376 = arith.index_cast %parallel_loop3A_375 : i32 to index
          %parallel_loop3A_377 = arith.index_cast %parallel_loop3A_368 : i32 to index
          %parallel_loop3A_378 = tpu.vector_load %arg6[%parallel_loop3A_376, %parallel_loop3A_377] {strides = array<i32>} : memref<4x2048xf32, #tpu.memory_space<vmem>>, vector<16xf32>,
          %parallel_loop3A_379 = vector.broadcast %squeeze3A_94 : f32 to vector<16xf32>
          %parallel_loop3A_380 = arith.mulf %parallel_loop3A_378, %parallel_loop3A_379 : vector<16xf32>
          %parallel_loop3A_381 = arith.addf %parallel_loop3A_374, %parallel_loop3A_380 : vector<16xf32>
          %parallel_loop3A_382 = arith.constant 2 : i32
          %parallel_loop3A_383 = arith.index_cast %parallel_loop3A_382 : i32 to index
          %parallel_loop3A_384 = arith.index_cast %parallel_loop3A_368 : i32 to index
          %parallel_loop3A_385 = tpu.vector_load %arg6[%parallel_loop3A_383, %parallel_loop3A_384] {strides = array<i32>} : memref<4x2048xf32, #tpu.memory_space<vmem>>, vector<16xf32>,
          %parallel_loop3A_386 = vector.broadcast %squeeze3A_96 : f32 to vector<16xf32>
          %parallel_loop3A_387 = arith.mulf %parallel_loop3A_385, %parallel_loop3A_386 : vector<16xf32>
          %parallel_loop3A_388 = arith.constant 3 : i32
          %parallel_loop3A_389 = arith.index_cast %parallel_loop3A_388 : i32 to index
          %parallel_loop3A_390 = arith.index_cast %parallel_loop3A_368 : i32 to index
          %parallel_loop3A_391 = tpu.vector_load %arg6[%parallel_loop3A_389, %parallel_loop3A_390] {strides = array<i32>} : memref<4x2048xf32, #tpu.memory_space<vmem>>, vector<16xf32>,
          %parallel_loop3A_392 = vector.broadcast %squeeze3A_98 : f32 to vector<16xf32>
          %parallel_loop3A_393 = arith.mulf %parallel_loop3A_391, %parallel_loop3A_392 : vector<16xf32>
          %parallel_loop3A_394 = arith.addf %parallel_loop3A_387, %parallel_loop3A_393 : vector<16xf32>
          %parallel_loop3A_395 = arith.addf %parallel_loop3A_381, %parallel_loop3A_394 : vector<16xf32>
          %parallel_loop3A_396 = arith.index_cast %parallel_loop3A_368 : i32 to index
          %parallel_loop3A_397 = tpu.vector_load %arg10[%parallel_loop3A_396] {strides = array<i32>} : memref<2048xf32, #tpu.memory_space<vmem>>, vector<16xf32>,
          tpu.vector_store %arg10[%parallel_loop3A_396], %parallel_loop3A_395 {add = true, strides = array<i32>} : memref<2048xf32, #tpu.memory_space<vmem>>, vector<16xf32>,
        } {sc.loop_unroll_factor = 1 : i64, sc.parallel_access}
        %lt3A_102 = arith.constant 15 : i32
        %lt3A_103 = arith.cmpi slt, %scan3A_77, %lt3A_102 : i32
        %convert_element_type3A_104 = arith.extui %lt3A_103 : i1 to i32
        %cond3A_105 = arith.constant 0 : i32
        %cond3A_106 = arith.cmpi ne, %convert_element_type3A_104, %cond3A_105 : i32
        scf.if %cond3A_106 {
          %add3A_133 = arith.constant 2 : i32
          %add3A_134 = arith.addi %mul3A_79, %add3A_133 : i32
          %mul3A_135 = arith.constant 4 : i32
          %mul3A_136 = arith.muli %add3A_134, %mul3A_135 : i32
          %mul3A_137 = arith.constant 2048 : i32
          %mul3A_138 = arith.muli %select_n3A_28, %mul3A_137 : i32
          %dma_start3A_139 = tpu.memref_slice %arg2[%min3A_35, %mul3A_136, %mul3A_138] : memref<32x128x8192xf32, #tpu.memory_space<hbm>> -> memref<1x4x2048xf32, #tpu.memory_space<hbm>>
          %dma_start3A_140 = tpu.memref_squeeze %dma_start3A_139 : memref<1x4x2048xf32, #tpu.memory_space<hbm>> -> memref<4x2048xf32, #tpu.memory_space<hbm>>
          %dma_start3A_141 = tpu.memref_slice %arg2[%min3A_35, %mul3A_136, %mul3A_138] : memref<32x128x8192xf32, #tpu.memory_space<hbm>> -> memref<1x4x2048xf32, #tpu.memory_space<hbm>>
          %dma_start3A_142 = tpu.memref_squeeze %dma_start3A_141 : memref<1x4x2048xf32, #tpu.memory_space<hbm>> -> memref<4x2048xf32, #tpu.memory_space<hbm>>
          tpu.enqueue_dma source(%dma_start3A_142 : memref<4x2048xf32, #tpu.memory_space<hbm>>) target(%arg6 : memref<4x2048xf32, #tpu.memory_space<vmem>>) target_semaphore(%arg14 : memref<!tpu.dma_semaphore, #tpu.memory_space<semaphore_mem>>)
        } else {
        }
        %add3A_107 = arith.constant 1 : i32
        %add3A_108 = arith.addi %mul3A_79, %add3A_107 : i32
        %mul3A_109 = arith.constant 4 : i32
        %mul3A_110 = arith.muli %add3A_108, %mul3A_109 : i32
        %mul3A_111 = arith.constant 2048 : i32
        %mul3A_112 = arith.muli %select_n3A_28, %mul3A_111 : i32
        %dma_wait3A_113 = tpu.memref_slice %arg2[%min3A_35, %mul3A_110, %mul3A_112] : memref<32x128x8192xf32, #tpu.memory_space<hbm>> -> memref<1x4x2048xf32, #tpu.memory_space<hbm>>
        %dma_wait3A_114 = tpu.memref_squeeze %dma_wait3A_113 : memref<1x4x2048xf32, #tpu.memory_space<hbm>> -> memref<4x2048xf32, #tpu.memory_space<hbm>>
        %dma_wait3A_115 = tpu.memref_slice %arg2[%min3A_35, %mul3A_110, %mul3A_112] : memref<32x128x8192xf32, #tpu.memory_space<hbm>> -> memref<1x4x2048xf32, #tpu.memory_space<hbm>>
        %dma_wait3A_116 = tpu.memref_squeeze %dma_wait3A_115 : memref<1x4x2048xf32, #tpu.memory_space<hbm>> -> memref<4x2048xf32, #tpu.memory_space<hbm>>
        tpu.wait_dma2 semaphore(%arg15 : memref<!tpu.dma_semaphore, #tpu.memory_space<semaphore_mem>>) src(%dma_wait3A_116 : memref<4x2048xf32, #tpu.memory_space<hbm>>) dst(%arg7 : memref<4x2048xf32, #tpu.memory_space<vmem>>)
        %slice3A_117 = vector.extract_strided_slice %get3A_83 {offsets = [4], sizes = [1], strides = [1]} : vector<16xf32> to vector<1xf32>
        %squeeze3A_118 = vector.extract %slice3A_117[0] : f32 from vector<1xf32>
        %slice3A_119 = vector.extract_strided_slice %get3A_83 {offsets = [5], sizes = [1], strides = [1]} : vector<16xf32> to vector<1xf32>
        %squeeze3A_120 = vector.extract %slice3A_119[0] : f32 from vector<1xf32>
        %slice3A_121 = vector.extract_strided_slice %get3A_83 {offsets = [6], sizes = [1], strides = [1]} : vector<16xf32> to vector<1xf32>
        %squeeze3A_122 = vector.extract %slice3A_121[0] : f32 from vector<1xf32>
        %slice3A_123 = vector.extract_strided_slice %get3A_83 {offsets = [7], sizes = [1], strides = [1]} : vector<16xf32> to vector<1xf32>
        %squeeze3A_124 = vector.extract %slice3A_123[0] : f32 from vector<1xf32>
        %parallel_loop3A_125 = arith.constant 0 : i32
        %parallel_loop3A_126 = arith.constant 16 : i32
        %parallel_loop3A_127 = arith.constant 1 : i32
        scf.for %parallel_loop3A_133 = %parallel_loop3A_125 to %parallel_loop3A_126 step %parallel_loop3A_127  : i32 {
          %parallel_loop3A_134 = arith.constant 128 : i32
          %parallel_loop3A_135 = arith.muli %parallel_loop3A_133, %parallel_loop3A_134 : i32
          %parallel_loop3A_136 = arith.constant 0 : i32
          %parallel_loop3A_137 = arith.addi %parallel_loop3A_135, %parallel_loop3A_136 : i32
          %parallel_loop3A_138 = arith.constant 0 : i32
          %parallel_loop3A_139 = arith.index_cast %parallel_loop3A_138 : i32 to index
          %parallel_loop3A_140 = arith.index_cast %parallel_loop3A_137 : i32 to index
          %parallel_loop3A_141 = tpu.vector_load %arg7[%parallel_loop3A_139, %parallel_loop3A_140] {strides = array<i32>} : memref<4x2048xf32, #tpu.memory_space<vmem>>, vector<16xf32>,
          %parallel_loop3A_142 = vector.broadcast %squeeze3A_118 : f32 to vector<16xf32>
          %parallel_loop3A_143 = arith.mulf %parallel_loop3A_141, %parallel_loop3A_142 : vector<16xf32>
          %parallel_loop3A_144 = arith.constant 1 : i32
          %parallel_loop3A_145 = arith.index_cast %parallel_loop3A_144 : i32 to index
          %parallel_loop3A_146 = arith.index_cast %parallel_loop3A_137 : i32 to index
          %parallel_loop3A_147 = tpu.vector_load %arg7[%parallel_loop3A_145, %parallel_loop3A_146] {strides = array<i32>} : memref<4x2048xf32, #tpu.memory_space<vmem>>, vector<16xf32>,
          %parallel_loop3A_148 = vector.broadcast %squeeze3A_120 : f32 to vector<16xf32>
          %parallel_loop3A_149 = arith.mulf %parallel_loop3A_147, %parallel_loop3A_148 : vector<16xf32>
          %parallel_loop3A_150 = arith.addf %parallel_loop3A_143, %parallel_loop3A_149 : vector<16xf32>
          %parallel_loop3A_151 = arith.constant 2 : i32
          %parallel_loop3A_152 = arith.index_cast %parallel_loop3A_151 : i32 to index
          %parallel_loop3A_153 = arith.index_cast %parallel_loop3A_137 : i32 to index
          %parallel_loop3A_154 = tpu.vector_load %arg7[%parallel_loop3A_152, %parallel_loop3A_153] {strides = array<i32>} : memref<4x2048xf32, #tpu.memory_space<vmem>>, vector<16xf32>,
          %parallel_loop3A_155 = vector.broadcast %squeeze3A_122 : f32 to vector<16xf32>
          %parallel_loop3A_156 = arith.mulf %parallel_loop3A_154, %parallel_loop3A_155 : vector<16xf32>
          %parallel_loop3A_157 = arith.constant 3 : i32
          %parallel_loop3A_158 = arith.index_cast %parallel_loop3A_157 : i32 to index
          %parallel_loop3A_159 = arith.index_cast %parallel_loop3A_137 : i32 to index
          %parallel_loop3A_160 = tpu.vector_load %arg7[%parallel_loop3A_158, %parallel_loop3A_159] {strides = array<i32>} : memref<4x2048xf32, #tpu.memory_space<vmem>>, vector<16xf32>,
          %parallel_loop3A_161 = vector.broadcast %squeeze3A_124 : f32 to vector<16xf32>
          %parallel_loop3A_162 = arith.mulf %parallel_loop3A_160, %parallel_loop3A_161 : vector<16xf32>
          %parallel_loop3A_163 = arith.addf %parallel_loop3A_156, %parallel_loop3A_162 : vector<16xf32>
          %parallel_loop3A_164 = arith.addf %parallel_loop3A_150, %parallel_loop3A_163 : vector<16xf32>
          %parallel_loop3A_165 = arith.index_cast %parallel_loop3A_137 : i32 to index
          %parallel_loop3A_166 = tpu.vector_load %arg10[%parallel_loop3A_165] {strides = array<i32>} : memref<2048xf32, #tpu.memory_space<vmem>>, vector<16xf32>,
          tpu.vector_store %arg10[%parallel_loop3A_165], %parallel_loop3A_164 {add = true, strides = array<i32>} : memref<2048xf32, #tpu.memory_space<vmem>>, vector<16xf32>,
          %parallel_loop3A_167 = arith.constant 128 : i32
          %parallel_loop3A_168 = arith.muli %parallel_loop3A_133, %parallel_loop3A_167 : i32
          %parallel_loop3A_169 = arith.constant 16 : i32
          %parallel_loop3A_170 = arith.addi %parallel_loop3A_168, %parallel_loop3A_169 : i32
          %parallel_loop3A_171 = arith.constant 0 : i32
          %parallel_loop3A_172 = arith.index_cast %parallel_loop3A_171 : i32 to index
          %parallel_loop3A_173 = arith.index_cast %parallel_loop3A_170 : i32 to index
          %parallel_loop3A_174 = tpu.vector_load %arg7[%parallel_loop3A_172, %parallel_loop3A_173] {strides = array<i32>} : memref<4x2048xf32, #tpu.memory_space<vmem>>, vector<16xf32>,
          %parallel_loop3A_175 = vector.broadcast %squeeze3A_118 : f32 to vector<16xf32>
          %parallel_loop3A_176 = arith.mulf %parallel_loop3A_174, %parallel_loop3A_175 : vector<16xf32>
          %parallel_loop3A_177 = arith.constant 1 : i32
          %parallel_loop3A_178 = arith.index_cast %parallel_loop3A_177 : i32 to index
          %parallel_loop3A_179 = arith.index_cast %parallel_loop3A_170 : i32 to index
          %parallel_loop3A_180 = tpu.vector_load %arg7[%parallel_loop3A_178, %parallel_loop3A_179] {strides = array<i32>} : memref<4x2048xf32, #tpu.memory_space<vmem>>, vector<16xf32>,
          %parallel_loop3A_181 = vector.broadcast %squeeze3A_120 : f32 to vector<16xf32>
          %parallel_loop3A_182 = arith.mulf %parallel_loop3A_180, %parallel_loop3A_181 : vector<16xf32>
          %parallel_loop3A_183 = arith.addf %parallel_loop3A_176, %parallel_loop3A_182 : vector<16xf32>
          %parallel_loop3A_184 = arith.constant 2 : i32
          %parallel_loop3A_185 = arith.index_cast %parallel_loop3A_184 : i32 to index
          %parallel_loop3A_186 = arith.index_cast %parallel_loop3A_170 : i32 to index
          %parallel_loop3A_187 = tpu.vector_load %arg7[%parallel_loop3A_185, %parallel_loop3A_186] {strides = array<i32>} : memref<4x2048xf32, #tpu.memory_space<vmem>>, vector<16xf32>,
          %parallel_loop3A_188 = vector.broadcast %squeeze3A_122 : f32 to vector<16xf32>
          %parallel_loop3A_189 = arith.mulf %parallel_loop3A_187, %parallel_loop3A_188 : vector<16xf32>
          %parallel_loop3A_190 = arith.constant 3 : i32
          %parallel_loop3A_191 = arith.index_cast %parallel_loop3A_190 : i32 to index
          %parallel_loop3A_192 = arith.index_cast %parallel_loop3A_170 : i32 to index
          %parallel_loop3A_193 = tpu.vector_load %arg7[%parallel_loop3A_191, %parallel_loop3A_192] {strides = array<i32>} : memref<4x2048xf32, #tpu.memory_space<vmem>>, vector<16xf32>,
          %parallel_loop3A_194 = vector.broadcast %squeeze3A_124 : f32 to vector<16xf32>
          %parallel_loop3A_195 = arith.mulf %parallel_loop3A_193, %parallel_loop3A_194 : vector<16xf32>
          %parallel_loop3A_196 = arith.addf %parallel_loop3A_189, %parallel_loop3A_195 : vector<16xf32>
          %parallel_loop3A_197 = arith.addf %parallel_loop3A_183, %parallel_loop3A_196 : vector<16xf32>
          %parallel_loop3A_198 = arith.index_cast %parallel_loop3A_170 : i32 to index
          %parallel_loop3A_199 = tpu.vector_load %arg10[%parallel_loop3A_198] {strides = array<i32>} : memref<2048xf32, #tpu.memory_space<vmem>>, vector<16xf32>,
          tpu.vector_store %arg10[%parallel_loop3A_198], %parallel_loop3A_197 {add = true, strides = array<i32>} : memref<2048xf32, #tpu.memory_space<vmem>>, vector<16xf32>,
          %parallel_loop3A_200 = arith.constant 128 : i32
          %parallel_loop3A_201 = arith.muli %parallel_loop3A_133, %parallel_loop3A_200 : i32
          %parallel_loop3A_202 = arith.constant 32 : i32
          %parallel_loop3A_203 = arith.addi %parallel_loop3A_201, %parallel_loop3A_202 : i32
          %parallel_loop3A_204 = arith.constant 0 : i32
          %parallel_loop3A_205 = arith.index_cast %parallel_loop3A_204 : i32 to index
          %parallel_loop3A_206 = arith.index_cast %parallel_loop3A_203 : i32 to index
          %parallel_loop3A_207 = tpu.vector_load %arg7[%parallel_loop3A_205, %parallel_loop3A_206] {strides = array<i32>} : memref<4x2048xf32, #tpu.memory_space<vmem>>, vector<16xf32>,
          %parallel_loop3A_208 = vector.broadcast %squeeze3A_118 : f32 to vector<16xf32>
          %parallel_loop3A_209 = arith.mulf %parallel_loop3A_207, %parallel_loop3A_208 : vector<16xf32>
          %parallel_loop3A_210 = arith.constant 1 : i32
          %parallel_loop3A_211 = arith.index_cast %parallel_loop3A_210 : i32 to index
          %parallel_loop3A_212 = arith.index_cast %parallel_loop3A_203 : i32 to index
          %parallel_loop3A_213 = tpu.vector_load %arg7[%parallel_loop3A_211, %parallel_loop3A_212] {strides = array<i32>} : memref<4x2048xf32, #tpu.memory_space<vmem>>, vector<16xf32>,
          %parallel_loop3A_214 = vector.broadcast %squeeze3A_120 : f32 to vector<16xf32>
          %parallel_loop3A_215 = arith.mulf %parallel_loop3A_213, %parallel_loop3A_214 : vector<16xf32>
          %parallel_loop3A_216 = arith.addf %parallel_loop3A_209, %parallel_loop3A_215 : vector<16xf32>
          %parallel_loop3A_217 = arith.constant 2 : i32
          %parallel_loop3A_218 = arith.index_cast %parallel_loop3A_217 : i32 to index
          %parallel_loop3A_219 = arith.index_cast %parallel_loop3A_203 : i32 to index
          %parallel_loop3A_220 = tpu.vector_load %arg7[%parallel_loop3A_218, %parallel_loop3A_219] {strides = array<i32>} : memref<4x2048xf32, #tpu.memory_space<vmem>>, vector<16xf32>,
          %parallel_loop3A_221 = vector.broadcast %squeeze3A_122 : f32 to vector<16xf32>
          %parallel_loop3A_222 = arith.mulf %parallel_loop3A_220, %parallel_loop3A_221 : vector<16xf32>
          %parallel_loop3A_223 = arith.constant 3 : i32
          %parallel_loop3A_224 = arith.index_cast %parallel_loop3A_223 : i32 to index
          %parallel_loop3A_225 = arith.index_cast %parallel_loop3A_203 : i32 to index
          %parallel_loop3A_226 = tpu.vector_load %arg7[%parallel_loop3A_224, %parallel_loop3A_225] {strides = array<i32>} : memref<4x2048xf32, #tpu.memory_space<vmem>>, vector<16xf32>,
          %parallel_loop3A_227 = vector.broadcast %squeeze3A_124 : f32 to vector<16xf32>
          %parallel_loop3A_228 = arith.mulf %parallel_loop3A_226, %parallel_loop3A_227 : vector<16xf32>
          %parallel_loop3A_229 = arith.addf %parallel_loop3A_222, %parallel_loop3A_228 : vector<16xf32>
          %parallel_loop3A_230 = arith.addf %parallel_loop3A_216, %parallel_loop3A_229 : vector<16xf32>
          %parallel_loop3A_231 = arith.index_cast %parallel_loop3A_203 : i32 to index
          %parallel_loop3A_232 = tpu.vector_load %arg10[%parallel_loop3A_231] {strides = array<i32>} : memref<2048xf32, #tpu.memory_space<vmem>>, vector<16xf32>,
          tpu.vector_store %arg10[%parallel_loop3A_231], %parallel_loop3A_230 {add = true, strides = array<i32>} : memref<2048xf32, #tpu.memory_space<vmem>>, vector<16xf32>,
          %parallel_loop3A_233 = arith.constant 128 : i32
          %parallel_loop3A_234 = arith.muli %parallel_loop3A_133, %parallel_loop3A_233 : i32
          %parallel_loop3A_235 = arith.constant 48 : i32
          %parallel_loop3A_236 = arith.addi %parallel_loop3A_234, %parallel_loop3A_235 : i32
          %parallel_loop3A_237 = arith.constant 0 : i32
          %parallel_loop3A_238 = arith.index_cast %parallel_loop3A_237 : i32 to index
          %parallel_loop3A_239 = arith.index_cast %parallel_loop3A_236 : i32 to index
          %parallel_loop3A_240 = tpu.vector_load %arg7[%parallel_loop3A_238, %parallel_loop3A_239] {strides = array<i32>} : memref<4x2048xf32, #tpu.memory_space<vmem>>, vector<16xf32>,
          %parallel_loop3A_241 = vector.broadcast %squeeze3A_118 : f32 to vector<16xf32>
          %parallel_loop3A_242 = arith.mulf %parallel_loop3A_240, %parallel_loop3A_241 : vector<16xf32>
          %parallel_loop3A_243 = arith.constant 1 : i32
          %parallel_loop3A_244 = arith.index_cast %parallel_loop3A_243 : i32 to index
          %parallel_loop3A_245 = arith.index_cast %parallel_loop3A_236 : i32 to index
          %parallel_loop3A_246 = tpu.vector_load %arg7[%parallel_loop3A_244, %parallel_loop3A_245] {strides = array<i32>} : memref<4x2048xf32, #tpu.memory_space<vmem>>, vector<16xf32>,
          %parallel_loop3A_247 = vector.broadcast %squeeze3A_120 : f32 to vector<16xf32>
          %parallel_loop3A_248 = arith.mulf %parallel_loop3A_246, %parallel_loop3A_247 : vector<16xf32>
          %parallel_loop3A_249 = arith.addf %parallel_loop3A_242, %parallel_loop3A_248 : vector<16xf32>
          %parallel_loop3A_250 = arith.constant 2 : i32
          %parallel_loop3A_251 = arith.index_cast %parallel_loop3A_250 : i32 to index
          %parallel_loop3A_252 = arith.index_cast %parallel_loop3A_236 : i32 to index
          %parallel_loop3A_253 = tpu.vector_load %arg7[%parallel_loop3A_251, %parallel_loop3A_252] {strides = array<i32>} : memref<4x2048xf32, #tpu.memory_space<vmem>>, vector<16xf32>,
          %parallel_loop3A_254 = vector.broadcast %squeeze3A_122 : f32 to vector<16xf32>
          %parallel_loop3A_255 = arith.mulf %parallel_loop3A_253, %parallel_loop3A_254 : vector<16xf32>
          %parallel_loop3A_256 = arith.constant 3 : i32
          %parallel_loop3A_257 = arith.index_cast %parallel_loop3A_256 : i32 to index
          %parallel_loop3A_258 = arith.index_cast %parallel_loop3A_236 : i32 to index
          %parallel_loop3A_259 = tpu.vector_load %arg7[%parallel_loop3A_257, %parallel_loop3A_258] {strides = array<i32>} : memref<4x2048xf32, #tpu.memory_space<vmem>>, vector<16xf32>,
          %parallel_loop3A_260 = vector.broadcast %squeeze3A_124 : f32 to vector<16xf32>
          %parallel_loop3A_261 = arith.mulf %parallel_loop3A_259, %parallel_loop3A_260 : vector<16xf32>
          %parallel_loop3A_262 = arith.addf %parallel_loop3A_255, %parallel_loop3A_261 : vector<16xf32>
          %parallel_loop3A_263 = arith.addf %parallel_loop3A_249, %parallel_loop3A_262 : vector<16xf32>
          %parallel_loop3A_264 = arith.index_cast %parallel_loop3A_236 : i32 to index
          %parallel_loop3A_265 = tpu.vector_load %arg10[%parallel_loop3A_264] {strides = array<i32>} : memref<2048xf32, #tpu.memory_space<vmem>>, vector<16xf32>,
          tpu.vector_store %arg10[%parallel_loop3A_264], %parallel_loop3A_263 {add = true, strides = array<i32>} : memref<2048xf32, #tpu.memory_space<vmem>>, vector<16xf32>,
          %parallel_loop3A_266 = arith.constant 128 : i32
          %parallel_loop3A_267 = arith.muli %parallel_loop3A_133, %parallel_loop3A_266 : i32
          %parallel_loop3A_268 = arith.constant 64 : i32
          %parallel_loop3A_269 = arith.addi %parallel_loop3A_267, %parallel_loop3A_268 : i32
          %parallel_loop3A_270 = arith.constant 0 : i32
          %parallel_loop3A_271 = arith.index_cast %parallel_loop3A_270 : i32 to index
          %parallel_loop3A_272 = arith.index_cast %parallel_loop3A_269 : i32 to index
          %parallel_loop3A_273 = tpu.vector_load %arg7[%parallel_loop3A_271, %parallel_loop3A_272] {strides = array<i32>} : memref<4x2048xf32, #tpu.memory_space<vmem>>, vector<16xf32>,
          %parallel_loop3A_274 = vector.broadcast %squeeze3A_118 : f32 to vector<16xf32>
          %parallel_loop3A_275 = arith.mulf %parallel_loop3A_273, %parallel_loop3A_274 : vector<16xf32>
          %parallel_loop3A_276 = arith.constant 1 : i32
          %parallel_loop3A_277 = arith.index_cast %parallel_loop3A_276 : i32 to index
          %parallel_loop3A_278 = arith.index_cast %parallel_loop3A_269 : i32 to index
          %parallel_loop3A_279 = tpu.vector_load %arg7[%parallel_loop3A_277, %parallel_loop3A_278] {strides = array<i32>} : memref<4x2048xf32, #tpu.memory_space<vmem>>, vector<16xf32>,
          %parallel_loop3A_280 = vector.broadcast %squeeze3A_120 : f32 to vector<16xf32>
          %parallel_loop3A_281 = arith.mulf %parallel_loop3A_279, %parallel_loop3A_280 : vector<16xf32>
          %parallel_loop3A_282 = arith.addf %parallel_loop3A_275, %parallel_loop3A_281 : vector<16xf32>
          %parallel_loop3A_283 = arith.constant 2 : i32
          %parallel_loop3A_284 = arith.index_cast %parallel_loop3A_283 : i32 to index
          %parallel_loop3A_285 = arith.index_cast %parallel_loop3A_269 : i32 to index
          %parallel_loop3A_286 = tpu.vector_load %arg7[%parallel_loop3A_284, %parallel_loop3A_285] {strides = array<i32>} : memref<4x2048xf32, #tpu.memory_space<vmem>>, vector<16xf32>,
          %parallel_loop3A_287 = vector.broadcast %squeeze3A_122 : f32 to vector<16xf32>
          %parallel_loop3A_288 = arith.mulf %parallel_loop3A_286, %parallel_loop3A_287 : vector<16xf32>
          %parallel_loop3A_289 = arith.constant 3 : i32
          %parallel_loop3A_290 = arith.index_cast %parallel_loop3A_289 : i32 to index
          %parallel_loop3A_291 = arith.index_cast %parallel_loop3A_269 : i32 to index
          %parallel_loop3A_292 = tpu.vector_load %arg7[%parallel_loop3A_290, %parallel_loop3A_291] {strides = array<i32>} : memref<4x2048xf32, #tpu.memory_space<vmem>>, vector<16xf32>,
          %parallel_loop3A_293 = vector.broadcast %squeeze3A_124 : f32 to vector<16xf32>
          %parallel_loop3A_294 = arith.mulf %parallel_loop3A_292, %parallel_loop3A_293 : vector<16xf32>
          %parallel_loop3A_295 = arith.addf %parallel_loop3A_288, %parallel_loop3A_294 : vector<16xf32>
          %parallel_loop3A_296 = arith.addf %parallel_loop3A_282, %parallel_loop3A_295 : vector<16xf32>
          %parallel_loop3A_297 = arith.index_cast %parallel_loop3A_269 : i32 to index
          %parallel_loop3A_298 = tpu.vector_load %arg10[%parallel_loop3A_297] {strides = array<i32>} : memref<2048xf32, #tpu.memory_space<vmem>>, vector<16xf32>,
          tpu.vector_store %arg10[%parallel_loop3A_297], %parallel_loop3A_296 {add = true, strides = array<i32>} : memref<2048xf32, #tpu.memory_space<vmem>>, vector<16xf32>,
          %parallel_loop3A_299 = arith.constant 128 : i32
          %parallel_loop3A_300 = arith.muli %parallel_loop3A_133, %parallel_loop3A_299 : i32
          %parallel_loop3A_301 = arith.constant 80 : i32
          %parallel_loop3A_302 = arith.addi %parallel_loop3A_300, %parallel_loop3A_301 : i32
          %parallel_loop3A_303 = arith.constant 0 : i32
          %parallel_loop3A_304 = arith.index_cast %parallel_loop3A_303 : i32 to index
          %parallel_loop3A_305 = arith.index_cast %parallel_loop3A_302 : i32 to index
          %parallel_loop3A_306 = tpu.vector_load %arg7[%parallel_loop3A_304, %parallel_loop3A_305] {strides = array<i32>} : memref<4x2048xf32, #tpu.memory_space<vmem>>, vector<16xf32>,
          %parallel_loop3A_307 = vector.broadcast %squeeze3A_118 : f32 to vector<16xf32>
          %parallel_loop3A_308 = arith.mulf %parallel_loop3A_306, %parallel_loop3A_307 : vector<16xf32>
          %parallel_loop3A_309 = arith.constant 1 : i32
          %parallel_loop3A_310 = arith.index_cast %parallel_loop3A_309 : i32 to index
          %parallel_loop3A_311 = arith.index_cast %parallel_loop3A_302 : i32 to index
          %parallel_loop3A_312 = tpu.vector_load %arg7[%parallel_loop3A_310, %parallel_loop3A_311] {strides = array<i32>} : memref<4x2048xf32, #tpu.memory_space<vmem>>, vector<16xf32>,
          %parallel_loop3A_313 = vector.broadcast %squeeze3A_120 : f32 to vector<16xf32>
          %parallel_loop3A_314 = arith.mulf %parallel_loop3A_312, %parallel_loop3A_313 : vector<16xf32>
          %parallel_loop3A_315 = arith.addf %parallel_loop3A_308, %parallel_loop3A_314 : vector<16xf32>
          %parallel_loop3A_316 = arith.constant 2 : i32
          %parallel_loop3A_317 = arith.index_cast %parallel_loop3A_316 : i32 to index
          %parallel_loop3A_318 = arith.index_cast %parallel_loop3A_302 : i32 to index
          %parallel_loop3A_319 = tpu.vector_load %arg7[%parallel_loop3A_317, %parallel_loop3A_318] {strides = array<i32>} : memref<4x2048xf32, #tpu.memory_space<vmem>>, vector<16xf32>,
          %parallel_loop3A_320 = vector.broadcast %squeeze3A_122 : f32 to vector<16xf32>
          %parallel_loop3A_321 = arith.mulf %parallel_loop3A_319, %parallel_loop3A_320 : vector<16xf32>
          %parallel_loop3A_322 = arith.constant 3 : i32
          %parallel_loop3A_323 = arith.index_cast %parallel_loop3A_322 : i32 to index
          %parallel_loop3A_324 = arith.index_cast %parallel_loop3A_302 : i32 to index
          %parallel_loop3A_325 = tpu.vector_load %arg7[%parallel_loop3A_323, %parallel_loop3A_324] {strides = array<i32>} : memref<4x2048xf32, #tpu.memory_space<vmem>>, vector<16xf32>,
          %parallel_loop3A_326 = vector.broadcast %squeeze3A_124 : f32 to vector<16xf32>
          %parallel_loop3A_327 = arith.mulf %parallel_loop3A_325, %parallel_loop3A_326 : vector<16xf32>
          %parallel_loop3A_328 = arith.addf %parallel_loop3A_321, %parallel_loop3A_327 : vector<16xf32>
          %parallel_loop3A_329 = arith.addf %parallel_loop3A_315, %parallel_loop3A_328 : vector<16xf32>
          %parallel_loop3A_330 = arith.index_cast %parallel_loop3A_302 : i32 to index
          %parallel_loop3A_331 = tpu.vector_load %arg10[%parallel_loop3A_330] {strides = array<i32>} : memref<2048xf32, #tpu.memory_space<vmem>>, vector<16xf32>,
          tpu.vector_store %arg10[%parallel_loop3A_330], %parallel_loop3A_329 {add = true, strides = array<i32>} : memref<2048xf32, #tpu.memory_space<vmem>>, vector<16xf32>,
          %parallel_loop3A_332 = arith.constant 128 : i32
          %parallel_loop3A_333 = arith.muli %parallel_loop3A_133, %parallel_loop3A_332 : i32
          %parallel_loop3A_334 = arith.constant 96 : i32
          %parallel_loop3A_335 = arith.addi %parallel_loop3A_333, %parallel_loop3A_334 : i32
          %parallel_loop3A_336 = arith.constant 0 : i32
          %parallel_loop3A_337 = arith.index_cast %parallel_loop3A_336 : i32 to index
          %parallel_loop3A_338 = arith.index_cast %parallel_loop3A_335 : i32 to index
          %parallel_loop3A_339 = tpu.vector_load %arg7[%parallel_loop3A_337, %parallel_loop3A_338] {strides = array<i32>} : memref<4x2048xf32, #tpu.memory_space<vmem>>, vector<16xf32>,
          %parallel_loop3A_340 = vector.broadcast %squeeze3A_118 : f32 to vector<16xf32>
          %parallel_loop3A_341 = arith.mulf %parallel_loop3A_339, %parallel_loop3A_340 : vector<16xf32>
          %parallel_loop3A_342 = arith.constant 1 : i32
          %parallel_loop3A_343 = arith.index_cast %parallel_loop3A_342 : i32 to index
          %parallel_loop3A_344 = arith.index_cast %parallel_loop3A_335 : i32 to index
          %parallel_loop3A_345 = tpu.vector_load %arg7[%parallel_loop3A_343, %parallel_loop3A_344] {strides = array<i32>} : memref<4x2048xf32, #tpu.memory_space<vmem>>, vector<16xf32>,
          %parallel_loop3A_346 = vector.broadcast %squeeze3A_120 : f32 to vector<16xf32>
          %parallel_loop3A_347 = arith.mulf %parallel_loop3A_345, %parallel_loop3A_346 : vector<16xf32>
          %parallel_loop3A_348 = arith.addf %parallel_loop3A_341, %parallel_loop3A_347 : vector<16xf32>
          %parallel_loop3A_349 = arith.constant 2 : i32
          %parallel_loop3A_350 = arith.index_cast %parallel_loop3A_349 : i32 to index
          %parallel_loop3A_351 = arith.index_cast %parallel_loop3A_335 : i32 to index
          %parallel_loop3A_352 = tpu.vector_load %arg7[%parallel_loop3A_350, %parallel_loop3A_351] {strides = array<i32>} : memref<4x2048xf32, #tpu.memory_space<vmem>>, vector<16xf32>,
          %parallel_loop3A_353 = vector.broadcast %squeeze3A_122 : f32 to vector<16xf32>
          %parallel_loop3A_354 = arith.mulf %parallel_loop3A_352, %parallel_loop3A_353 : vector<16xf32>
          %parallel_loop3A_355 = arith.constant 3 : i32
          %parallel_loop3A_356 = arith.index_cast %parallel_loop3A_355 : i32 to index
          %parallel_loop3A_357 = arith.index_cast %parallel_loop3A_335 : i32 to index
          %parallel_loop3A_358 = tpu.vector_load %arg7[%parallel_loop3A_356, %parallel_loop3A_357] {strides = array<i32>} : memref<4x2048xf32, #tpu.memory_space<vmem>>, vector<16xf32>,
          %parallel_loop3A_359 = vector.broadcast %squeeze3A_124 : f32 to vector<16xf32>
          %parallel_loop3A_360 = arith.mulf %parallel_loop3A_358, %parallel_loop3A_359 : vector<16xf32>
          %parallel_loop3A_361 = arith.addf %parallel_loop3A_354, %parallel_loop3A_360 : vector<16xf32>
          %parallel_loop3A_362 = arith.addf %parallel_loop3A_348, %parallel_loop3A_361 : vector<16xf32>
          %parallel_loop3A_363 = arith.index_cast %parallel_loop3A_335 : i32 to index
          %parallel_loop3A_364 = tpu.vector_load %arg10[%parallel_loop3A_363] {strides = array<i32>} : memref<2048xf32, #tpu.memory_space<vmem>>, vector<16xf32>,
          tpu.vector_store %arg10[%parallel_loop3A_363], %parallel_loop3A_362 {add = true, strides = array<i32>} : memref<2048xf32, #tpu.memory_space<vmem>>, vector<16xf32>,
          %parallel_loop3A_365 = arith.constant 128 : i32
          %parallel_loop3A_366 = arith.muli %parallel_loop3A_133, %parallel_loop3A_365 : i32
          %parallel_loop3A_367 = arith.constant 112 : i32
          %parallel_loop3A_368 = arith.addi %parallel_loop3A_366, %parallel_loop3A_367 : i32
          %parallel_loop3A_369 = arith.constant 0 : i32
          %parallel_loop3A_370 = arith.index_cast %parallel_loop3A_369 : i32 to index
          %parallel_loop3A_371 = arith.index_cast %parallel_loop3A_368 : i32 to index
          %parallel_loop3A_372 = tpu.vector_load %arg7[%parallel_loop3A_370, %parallel_loop3A_371] {strides = array<i32>} : memref<4x2048xf32, #tpu.memory_space<vmem>>, vector<16xf32>,
          %parallel_loop3A_373 = vector.broadcast %squeeze3A_118 : f32 to vector<16xf32>
          %parallel_loop3A_374 = arith.mulf %parallel_loop3A_372, %parallel_loop3A_373 : vector<16xf32>
          %parallel_loop3A_375 = arith.constant 1 : i32
          %parallel_loop3A_376 = arith.index_cast %parallel_loop3A_375 : i32 to index
          %parallel_loop3A_377 = arith.index_cast %parallel_loop3A_368 : i32 to index
          %parallel_loop3A_378 = tpu.vector_load %arg7[%parallel_loop3A_376, %parallel_loop3A_377] {strides = array<i32>} : memref<4x2048xf32, #tpu.memory_space<vmem>>, vector<16xf32>,
          %parallel_loop3A_379 = vector.broadcast %squeeze3A_120 : f32 to vector<16xf32>
          %parallel_loop3A_380 = arith.mulf %parallel_loop3A_378, %parallel_loop3A_379 : vector<16xf32>
          %parallel_loop3A_381 = arith.addf %parallel_loop3A_374, %parallel_loop3A_380 : vector<16xf32>
          %parallel_loop3A_382 = arith.constant 2 : i32
          %parallel_loop3A_383 = arith.index_cast %parallel_loop3A_382 : i32 to index
          %parallel_loop3A_384 = arith.index_cast %parallel_loop3A_368 : i32 to index
          %parallel_loop3A_385 = tpu.vector_load %arg7[%parallel_loop3A_383, %parallel_loop3A_384] {strides = array<i32>} : memref<4x2048xf32, #tpu.memory_space<vmem>>, vector<16xf32>,
          %parallel_loop3A_386 = vector.broadcast %squeeze3A_122 : f32 to vector<16xf32>
          %parallel_loop3A_387 = arith.mulf %parallel_loop3A_385, %parallel_loop3A_386 : vector<16xf32>
          %parallel_loop3A_388 = arith.constant 3 : i32
          %parallel_loop3A_389 = arith.index_cast %parallel_loop3A_388 : i32 to index
          %parallel_loop3A_390 = arith.index_cast %parallel_loop3A_368 : i32 to index
          %parallel_loop3A_391 = tpu.vector_load %arg7[%parallel_loop3A_389, %parallel_loop3A_390] {strides = array<i32>} : memref<4x2048xf32, #tpu.memory_space<vmem>>, vector<16xf32>,
          %parallel_loop3A_392 = vector.broadcast %squeeze3A_124 : f32 to vector<16xf32>
          %parallel_loop3A_393 = arith.mulf %parallel_loop3A_391, %parallel_loop3A_392 : vector<16xf32>
          %parallel_loop3A_394 = arith.addf %parallel_loop3A_387, %parallel_loop3A_393 : vector<16xf32>
          %parallel_loop3A_395 = arith.addf %parallel_loop3A_381, %parallel_loop3A_394 : vector<16xf32>
          %parallel_loop3A_396 = arith.index_cast %parallel_loop3A_368 : i32 to index
          %parallel_loop3A_397 = tpu.vector_load %arg10[%parallel_loop3A_396] {strides = array<i32>} : memref<2048xf32, #tpu.memory_space<vmem>>, vector<16xf32>,
          tpu.vector_store %arg10[%parallel_loop3A_396], %parallel_loop3A_395 {add = true, strides = array<i32>} : memref<2048xf32, #tpu.memory_space<vmem>>, vector<16xf32>,
        } {sc.loop_unroll_factor = 1 : i64, sc.parallel_access}
        %lt3A_128 = arith.constant 15 : i32
        %lt3A_129 = arith.cmpi slt, %scan3A_77, %lt3A_128 : i32
        %convert_element_type3A_130 = arith.extui %lt3A_129 : i1 to i32
        %cond3A_131 = arith.constant 0 : i32
        %cond3A_132 = arith.cmpi ne, %convert_element_type3A_130, %cond3A_131 : i32
        scf.if %cond3A_132 {
          %add3A_133 = arith.constant 3 : i32
          %add3A_134 = arith.addi %mul3A_79, %add3A_133 : i32
          %mul3A_135 = arith.constant 4 : i32
          %mul3A_136 = arith.muli %add3A_134, %mul3A_135 : i32
          %mul3A_137 = arith.constant 2048 : i32
          %mul3A_138 = arith.muli %select_n3A_28, %mul3A_137 : i32
          %dma_start3A_139 = tpu.memref_slice %arg2[%min3A_35, %mul3A_136, %mul3A_138] : memref<32x128x8192xf32, #tpu.memory_space<hbm>> -> memref<1x4x2048xf32, #tpu.memory_space<hbm>>
          %dma_start3A_140 = tpu.memref_squeeze %dma_start3A_139 : memref<1x4x2048xf32, #tpu.memory_space<hbm>> -> memref<4x2048xf32, #tpu.memory_space<hbm>>
          %dma_start3A_141 = tpu.memref_slice %arg2[%min3A_35, %mul3A_136, %mul3A_138] : memref<32x128x8192xf32, #tpu.memory_space<hbm>> -> memref<1x4x2048xf32, #tpu.memory_space<hbm>>
          %dma_start3A_142 = tpu.memref_squeeze %dma_start3A_141 : memref<1x4x2048xf32, #tpu.memory_space<hbm>> -> memref<4x2048xf32, #tpu.memory_space<hbm>>
          tpu.enqueue_dma source(%dma_start3A_142 : memref<4x2048xf32, #tpu.memory_space<hbm>>) target(%arg7 : memref<4x2048xf32, #tpu.memory_space<vmem>>) target_semaphore(%arg15 : memref<!tpu.dma_semaphore, #tpu.memory_space<semaphore_mem>>)
        } else {
        }
      }
      %scan3A_68 = arith.constant 16 : i32
      %scan3A_69 = arith.constant 0 : i32
      %scan3A_70 = arith.constant 0 : i32
      %scan3A_71 = arith.constant 16 : i32
      %scan3A_72 = arith.addi %scan3A_70, %scan3A_71 : i32
      %scan3A_73 = arith.constant 1 : i32
      scf.for %scan3A_77 = %scan3A_70 to %scan3A_72 step %scan3A_73  : i32 {
        %mul3A_78 = arith.constant 128 : i32
        %mul3A_79 = arith.muli %scan3A_77, %mul3A_78 : i32
        %add3A_80 = arith.constant 0 : i32
        %add3A_81 = arith.addi %mul3A_79, %add3A_80 : i32
        %get3A_82 = arith.index_cast %add3A_81 : i32 to index
        %get3A_83 = tpu.vector_load %arg10[%get3A_82] {strides = array<i32>} : memref<2048xf32, #tpu.memory_space<vmem>>, vector<16xf32>,
        %add3A_84 = vector.broadcast %squeeze3A : f32 to vector<16xf32>
        %add3A_85 = arith.addf %get3A_83, %add3A_84 : vector<16xf32>
        %abs3A = math.absf %add3A_85 : vector<16xf32>
        %swap3A = arith.index_cast %add3A_81 : i32 to index
        %swap3A_86 = tpu.vector_load %arg10[%swap3A] {strides = array<i32>} : memref<2048xf32, #tpu.memory_space<vmem>>, vector<16xf32>,
        tpu.vector_store %arg10[%swap3A], %abs3A {strides = array<i32>} : memref<2048xf32, #tpu.memory_space<vmem>>, vector<16xf32>,
        %mul3A_87 = arith.constant 128 : i32
        %mul3A_88 = arith.muli %scan3A_77, %mul3A_87 : i32
        %add3A_89 = arith.constant 16 : i32
        %add3A_90 = arith.addi %mul3A_88, %add3A_89 : i32
        %get3A_91 = arith.index_cast %add3A_90 : i32 to index
        %get3A_92 = tpu.vector_load %arg10[%get3A_91] {strides = array<i32>} : memref<2048xf32, #tpu.memory_space<vmem>>, vector<16xf32>,
        %add3A_93 = vector.broadcast %squeeze3A : f32 to vector<16xf32>
        %add3A_94 = arith.addf %get3A_92, %add3A_93 : vector<16xf32>
        %abs3A_95 = math.absf %add3A_94 : vector<16xf32>
        %swap3A_96 = arith.index_cast %add3A_90 : i32 to index
        %swap3A_97 = tpu.vector_load %arg10[%swap3A_96] {strides = array<i32>} : memref<2048xf32, #tpu.memory_space<vmem>>, vector<16xf32>,
        tpu.vector_store %arg10[%swap3A_96], %abs3A_95 {strides = array<i32>} : memref<2048xf32, #tpu.memory_space<vmem>>, vector<16xf32>,
        %mul3A_98 = arith.constant 128 : i32
        %mul3A_99 = arith.muli %scan3A_77, %mul3A_98 : i32
        %add3A_100 = arith.constant 32 : i32
        %add3A_101 = arith.addi %mul3A_99, %add3A_100 : i32
        %get3A_102 = arith.index_cast %add3A_101 : i32 to index
        %get3A_103 = tpu.vector_load %arg10[%get3A_102] {strides = array<i32>} : memref<2048xf32, #tpu.memory_space<vmem>>, vector<16xf32>,
        %add3A_104 = vector.broadcast %squeeze3A : f32 to vector<16xf32>
        %add3A_105 = arith.addf %get3A_103, %add3A_104 : vector<16xf32>
        %abs3A_106 = math.absf %add3A_105 : vector<16xf32>
        %swap3A_107 = arith.index_cast %add3A_101 : i32 to index
        %swap3A_108 = tpu.vector_load %arg10[%swap3A_107] {strides = array<i32>} : memref<2048xf32, #tpu.memory_space<vmem>>, vector<16xf32>,
        tpu.vector_store %arg10[%swap3A_107], %abs3A_106 {strides = array<i32>} : memref<2048xf32, #tpu.memory_space<vmem>>, vector<16xf32>,
        %mul3A_109 = arith.constant 128 : i32
        %mul3A_110 = arith.muli %scan3A_77, %mul3A_109 : i32
        %add3A_111 = arith.constant 48 : i32
        %add3A_112 = arith.addi %mul3A_110, %add3A_111 : i32
        %get3A_113 = arith.index_cast %add3A_112 : i32 to index
        %get3A_114 = tpu.vector_load %arg10[%get3A_113] {strides = array<i32>} : memref<2048xf32, #tpu.memory_space<vmem>>, vector<16xf32>,
        %add3A_115 = vector.broadcast %squeeze3A : f32 to vector<16xf32>
        %add3A_116 = arith.addf %get3A_114, %add3A_115 : vector<16xf32>
        %abs3A_117 = math.absf %add3A_116 : vector<16xf32>
        %swap3A_118 = arith.index_cast %add3A_112 : i32 to index
        %swap3A_119 = tpu.vector_load %arg10[%swap3A_118] {strides = array<i32>} : memref<2048xf32, #tpu.memory_space<vmem>>, vector<16xf32>,
        tpu.vector_store %arg10[%swap3A_118], %abs3A_117 {strides = array<i32>} : memref<2048xf32, #tpu.memory_space<vmem>>, vector<16xf32>,
        %mul3A_120 = arith.constant 128 : i32
        %mul3A_121 = arith.muli %scan3A_77, %mul3A_120 : i32
        %add3A_122 = arith.constant 64 : i32
        %add3A_123 = arith.addi %mul3A_121, %add3A_122 : i32
        %get3A_124 = arith.index_cast %add3A_123 : i32 to index
        %get3A_125 = tpu.vector_load %arg10[%get3A_124] {strides = array<i32>} : memref<2048xf32, #tpu.memory_space<vmem>>, vector<16xf32>,
        %add3A_126 = vector.broadcast %squeeze3A : f32 to vector<16xf32>
        %add3A_127 = arith.addf %get3A_125, %add3A_126 : vector<16xf32>
        %abs3A_128 = math.absf %add3A_127 : vector<16xf32>
        %swap3A_129 = arith.index_cast %add3A_123 : i32 to index
        %swap3A_130 = tpu.vector_load %arg10[%swap3A_129] {strides = array<i32>} : memref<2048xf32, #tpu.memory_space<vmem>>, vector<16xf32>,
        tpu.vector_store %arg10[%swap3A_129], %abs3A_128 {strides = array<i32>} : memref<2048xf32, #tpu.memory_space<vmem>>, vector<16xf32>,
        %mul3A_131 = arith.constant 128 : i32
        %mul3A_132 = arith.muli %scan3A_77, %mul3A_131 : i32
        %add3A_133 = arith.constant 80 : i32
        %add3A_134 = arith.addi %mul3A_132, %add3A_133 : i32
        %get3A_135 = arith.index_cast %add3A_134 : i32 to index
        %get3A_136 = tpu.vector_load %arg10[%get3A_135] {strides = array<i32>} : memref<2048xf32, #tpu.memory_space<vmem>>, vector<16xf32>,
        %add3A_137 = vector.broadcast %squeeze3A : f32 to vector<16xf32>
        %add3A_138 = arith.addf %get3A_136, %add3A_137 : vector<16xf32>
        %abs3A_139 = math.absf %add3A_138 : vector<16xf32>
        %swap3A_140 = arith.index_cast %add3A_134 : i32 to index
        %swap3A_141 = tpu.vector_load %arg10[%swap3A_140] {strides = array<i32>} : memref<2048xf32, #tpu.memory_space<vmem>>, vector<16xf32>,
        tpu.vector_store %arg10[%swap3A_140], %abs3A_139 {strides = array<i32>} : memref<2048xf32, #tpu.memory_space<vmem>>, vector<16xf32>,
        %mul3A_142 = arith.constant 128 : i32
        %mul3A_143 = arith.muli %scan3A_77, %mul3A_142 : i32
        %add3A_144 = arith.constant 96 : i32
        %add3A_145 = arith.addi %mul3A_143, %add3A_144 : i32
        %get3A_146 = arith.index_cast %add3A_145 : i32 to index
        %get3A_147 = tpu.vector_load %arg10[%get3A_146] {strides = array<i32>} : memref<2048xf32, #tpu.memory_space<vmem>>, vector<16xf32>,
        %add3A_148 = vector.broadcast %squeeze3A : f32 to vector<16xf32>
        %add3A_149 = arith.addf %get3A_147, %add3A_148 : vector<16xf32>
        %abs3A_150 = math.absf %add3A_149 : vector<16xf32>
        %swap3A_151 = arith.index_cast %add3A_145 : i32 to index
        %swap3A_152 = tpu.vector_load %arg10[%swap3A_151] {strides = array<i32>} : memref<2048xf32, #tpu.memory_space<vmem>>, vector<16xf32>,
        tpu.vector_store %arg10[%swap3A_151], %abs3A_150 {strides = array<i32>} : memref<2048xf32, #tpu.memory_space<vmem>>, vector<16xf32>,
        %mul3A_153 = arith.constant 128 : i32
        %mul3A_154 = arith.muli %scan3A_77, %mul3A_153 : i32
        %add3A_155 = arith.constant 112 : i32
        %add3A_156 = arith.addi %mul3A_154, %add3A_155 : i32
        %get3A_157 = arith.index_cast %add3A_156 : i32 to index
        %get3A_158 = tpu.vector_load %arg10[%get3A_157] {strides = array<i32>} : memref<2048xf32, #tpu.memory_space<vmem>>, vector<16xf32>,
        %add3A_159 = vector.broadcast %squeeze3A : f32 to vector<16xf32>
        %add3A_160 = arith.addf %get3A_158, %add3A_159 : vector<16xf32>
        %abs3A_161 = math.absf %add3A_160 : vector<16xf32>
        %swap3A_162 = arith.index_cast %add3A_156 : i32 to index
        %swap3A_163 = tpu.vector_load %arg10[%swap3A_162] {strides = array<i32>} : memref<2048xf32, #tpu.memory_space<vmem>>, vector<16xf32>,
        tpu.vector_store %arg10[%swap3A_162], %abs3A_161 {strides = array<i32>} : memref<2048xf32, #tpu.memory_space<vmem>>, vector<16xf32>,
      }
      %scan3A_74 = arith.constant 16 : i32
      %mul3A_75 = arith.constant 2048 : i32
      %mul3A_76 = arith.muli %select_n3A_28, %mul3A_75 : i32
      "tpu.region"() ({
        %run_scoped3A = tpu.sem_alloc : memref<!tpu.dma_semaphore, #tpu.memory_space<semaphore_mem>>
        %dma_start3A_77 = tpu.memref_slice %arg13[%select_n3A, %mul3A_76] : memref<4x8192xf32, #tpu.memory_space<vmem_shared>> -> memref<1x2048xf32, #tpu.memory_space<vmem_shared>>
        %dma_start3A_78 = tpu.memref_squeeze %dma_start3A_77 : memref<1x2048xf32, #tpu.memory_space<vmem_shared>> -> memref<2048xf32, #tpu.memory_space<vmem_shared>>
        %dma_start3A_79 = tpu.memref_slice %arg13[%select_n3A, %mul3A_76] : memref<4x8192xf32, #tpu.memory_space<vmem_shared>> -> memref<1x2048xf32, #tpu.memory_space<vmem_shared>>
        %dma_start3A_80 = tpu.memref_squeeze %dma_start3A_79 : memref<1x2048xf32, #tpu.memory_space<vmem_shared>> -> memref<2048xf32, #tpu.memory_space<vmem_shared>>
        tpu.enqueue_dma source(%arg10 : memref<2048xf32, #tpu.memory_space<vmem>>) target(%dma_start3A_80 : memref<2048xf32, #tpu.memory_space<vmem_shared>>) target_semaphore(%run_scoped3A : memref<!tpu.dma_semaphore, #tpu.memory_space<semaphore_mem>>)
        %dma_wait3A = tpu.memref_slice %arg13[%select_n3A, %mul3A_76] : memref<4x8192xf32, #tpu.memory_space<vmem_shared>> -> memref<1x2048xf32, #tpu.memory_space<vmem_shared>>
        %dma_wait3A_81 = tpu.memref_squeeze %dma_wait3A : memref<1x2048xf32, #tpu.memory_space<vmem_shared>> -> memref<2048xf32, #tpu.memory_space<vmem_shared>>
        %dma_wait3A_82 = tpu.memref_slice %arg13[%select_n3A, %mul3A_76] : memref<4x8192xf32, #tpu.memory_space<vmem_shared>> -> memref<1x2048xf32, #tpu.memory_space<vmem_shared>>
        %dma_wait3A_83 = tpu.memref_squeeze %dma_wait3A_82 : memref<1x2048xf32, #tpu.memory_space<vmem_shared>> -> memref<2048xf32, #tpu.memory_space<vmem_shared>>
        tpu.wait_dma2 semaphore(%run_scoped3A : memref<!tpu.dma_semaphore, #tpu.memory_space<semaphore_mem>>) src(%arg10 : memref<2048xf32, #tpu.memory_space<vmem>>) dst(%dma_wait3A_83 : memref<2048xf32, #tpu.memory_space<vmem_shared>>)
        tpu.yield
      }) : () -> ()
    } else {
    }
    %barrier3A = arith.constant 0 : index
    tpu.barrier barrier_id(%barrier3A)
    %broadcast_in_dim3A = arith.constant 1.000000e+00 : f32
    %broadcast_in_dim3A_38 = vector.broadcast %broadcast_in_dim3A : f32 to vector<16xf32>
    %broadcast_in_dim3A_39 = arith.constant 0.000000e+00 : f32
    %broadcast_in_dim3A_40 = vector.broadcast %broadcast_in_dim3A_39 : f32 to vector<16xf32>
    %eq3A_41 = arith.constant 0 : i32
    %eq3A_42 = arith.cmpi eq, %select_n3A_28, %eq3A_41 : i32
    %and3A_43 = arith.andi %eq3A_42, %lt3A_32 : i1
    %convert_element_type3A_44 = arith.extui %and3A_43 : i1 to i32
    %cond3A_45 = arith.constant 0 : i32
    %cond3A_46 = arith.cmpi ne, %convert_element_type3A_44, %cond3A_45 : i32
    scf.if %cond3A_46 {
      "tpu.region"() ({
        %run_scoped3A = tpu.sem_alloc : memref<!tpu.dma_semaphore, #tpu.memory_space<semaphore_mem>>
        %dma_start3A = arith.constant 0 : i32
        %dma_start3A_82 = tpu.memref_slice %arg13[%select_n3A, %dma_start3A] : memref<4x8192xf32, #tpu.memory_space<vmem_shared>> -> memref<1x8192xf32, #tpu.memory_space<vmem_shared>>
        %dma_start3A_83 = tpu.memref_squeeze %dma_start3A_82 : memref<1x8192xf32, #tpu.memory_space<vmem_shared>> -> memref<8192xf32, #tpu.memory_space<vmem_shared>>
        %dma_start3A_84 = arith.constant 0 : i32
        %dma_start3A_85 = tpu.memref_slice %arg13[%select_n3A, %dma_start3A_84] : memref<4x8192xf32, #tpu.memory_space<vmem_shared>> -> memref<1x8192xf32, #tpu.memory_space<vmem_shared>>
        %dma_start3A_86 = tpu.memref_squeeze %dma_start3A_85 : memref<1x8192xf32, #tpu.memory_space<vmem_shared>> -> memref<8192xf32, #tpu.memory_space<vmem_shared>>
        tpu.enqueue_dma source(%dma_start3A_86 : memref<8192xf32, #tpu.memory_space<vmem_shared>>) target(%arg11 : memref<8192xf32, #tpu.memory_space<vmem>>) target_semaphore(%run_scoped3A : memref<!tpu.dma_semaphore, #tpu.memory_space<semaphore_mem>>)
        %dma_wait3A = arith.constant 0 : i32
        %dma_wait3A_87 = tpu.memref_slice %arg13[%select_n3A, %dma_wait3A] : memref<4x8192xf32, #tpu.memory_space<vmem_shared>> -> memref<1x8192xf32, #tpu.memory_space<vmem_shared>>
        %dma_wait3A_88 = tpu.memref_squeeze %dma_wait3A_87 : memref<1x8192xf32, #tpu.memory_space<vmem_shared>> -> memref<8192xf32, #tpu.memory_space<vmem_shared>>
        %dma_wait3A_89 = arith.constant 0 : i32
        %dma_wait3A_90 = tpu.memref_slice %arg13[%select_n3A, %dma_wait3A_89] : memref<4x8192xf32, #tpu.memory_space<vmem_shared>> -> memref<1x8192xf32, #tpu.memory_space<vmem_shared>>
        %dma_wait3A_91 = tpu.memref_squeeze %dma_wait3A_90 : memref<1x8192xf32, #tpu.memory_space<vmem_shared>> -> memref<8192xf32, #tpu.memory_space<vmem_shared>>
        tpu.wait_dma2 semaphore(%run_scoped3A : memref<!tpu.dma_semaphore, #tpu.memory_space<semaphore_mem>>) src(%dma_wait3A_91 : memref<8192xf32, #tpu.memory_space<vmem_shared>>) dst(%arg11 : memref<8192xf32, #tpu.memory_space<vmem>>)
        tpu.yield
      }) : () -> ()
      %parallel_loop3A = arith.constant 0 : i32
      %parallel_loop3A_47 = arith.constant 64 : i32
      %parallel_loop3A_48 = arith.constant 1 : i32
      %parallel_loop3A_49 = scf.for %parallel_loop3A_82 = %parallel_loop3A to %parallel_loop3A_47 step %parallel_loop3A_48 iter_args(%parallel_loop3A_83 = %broadcast_in_dim3A_40) -> (vector<16xf32>)  : i32 {
        %parallel_loop3A_84 = arith.constant 128 : i32
        %parallel_loop3A_85 = arith.muli %parallel_loop3A_82, %parallel_loop3A_84 : i32
        %parallel_loop3A_86 = arith.constant 0 : i32
        %parallel_loop3A_87 = arith.addi %parallel_loop3A_85, %parallel_loop3A_86 : i32
        %parallel_loop3A_88 = arith.index_cast %parallel_loop3A_87 : i32 to index
        %parallel_loop3A_89 = tpu.vector_load %arg11[%parallel_loop3A_88] {strides = array<i32>} : memref<8192xf32, #tpu.memory_space<vmem>>, vector<16xf32>,
        %parallel_loop3A_90 = arith.constant 128 : i32
        %parallel_loop3A_91 = arith.muli %parallel_loop3A_82, %parallel_loop3A_90 : i32
        %parallel_loop3A_92 = arith.constant 16 : i32
        %parallel_loop3A_93 = arith.addi %parallel_loop3A_91, %parallel_loop3A_92 : i32
        %parallel_loop3A_94 = arith.index_cast %parallel_loop3A_93 : i32 to index
        %parallel_loop3A_95 = tpu.vector_load %arg11[%parallel_loop3A_94] {strides = array<i32>} : memref<8192xf32, #tpu.memory_space<vmem>>, vector<16xf32>,
        %parallel_loop3A_96 = arith.constant 128 : i32
        %parallel_loop3A_97 = arith.muli %parallel_loop3A_82, %parallel_loop3A_96 : i32
        %parallel_loop3A_98 = arith.constant 32 : i32
        %parallel_loop3A_99 = arith.addi %parallel_loop3A_97, %parallel_loop3A_98 : i32
        %parallel_loop3A_100 = arith.index_cast %parallel_loop3A_99 : i32 to index
        %parallel_loop3A_101 = tpu.vector_load %arg11[%parallel_loop3A_100] {strides = array<i32>} : memref<8192xf32, #tpu.memory_space<vmem>>, vector<16xf32>,
        %parallel_loop3A_102 = arith.constant 128 : i32
        %parallel_loop3A_103 = arith.muli %parallel_loop3A_82, %parallel_loop3A_102 : i32
        %parallel_loop3A_104 = arith.constant 48 : i32
        %parallel_loop3A_105 = arith.addi %parallel_loop3A_103, %parallel_loop3A_104 : i32
        %parallel_loop3A_106 = arith.index_cast %parallel_loop3A_105 : i32 to index
        %parallel_loop3A_107 = tpu.vector_load %arg11[%parallel_loop3A_106] {strides = array<i32>} : memref<8192xf32, #tpu.memory_space<vmem>>, vector<16xf32>,
        %parallel_loop3A_108 = arith.constant 128 : i32
        %parallel_loop3A_109 = arith.muli %parallel_loop3A_82, %parallel_loop3A_108 : i32
        %parallel_loop3A_110 = arith.constant 64 : i32
        %parallel_loop3A_111 = arith.addi %parallel_loop3A_109, %parallel_loop3A_110 : i32
        %parallel_loop3A_112 = arith.index_cast %parallel_loop3A_111 : i32 to index
        %parallel_loop3A_113 = tpu.vector_load %arg11[%parallel_loop3A_112] {strides = array<i32>} : memref<8192xf32, #tpu.memory_space<vmem>>, vector<16xf32>,
        %parallel_loop3A_114 = arith.constant 128 : i32
        %parallel_loop3A_115 = arith.muli %parallel_loop3A_82, %parallel_loop3A_114 : i32
        %parallel_loop3A_116 = arith.constant 80 : i32
        %parallel_loop3A_117 = arith.addi %parallel_loop3A_115, %parallel_loop3A_116 : i32
        %parallel_loop3A_118 = arith.index_cast %parallel_loop3A_117 : i32 to index
        %parallel_loop3A_119 = tpu.vector_load %arg11[%parallel_loop3A_118] {strides = array<i32>} : memref<8192xf32, #tpu.memory_space<vmem>>, vector<16xf32>,
        %parallel_loop3A_120 = arith.constant 128 : i32
        %parallel_loop3A_121 = arith.muli %parallel_loop3A_82, %parallel_loop3A_120 : i32
        %parallel_loop3A_122 = arith.constant 96 : i32
        %parallel_loop3A_123 = arith.addi %parallel_loop3A_121, %parallel_loop3A_122 : i32
        %parallel_loop3A_124 = arith.index_cast %parallel_loop3A_123 : i32 to index
        %parallel_loop3A_125 = tpu.vector_load %arg11[%parallel_loop3A_124] {strides = array<i32>} : memref<8192xf32, #tpu.memory_space<vmem>>, vector<16xf32>,
        %parallel_loop3A_126 = arith.constant 128 : i32
        %parallel_loop3A_127 = arith.muli %parallel_loop3A_82, %parallel_loop3A_126 : i32
        %parallel_loop3A_128 = arith.constant 112 : i32
        %parallel_loop3A_129 = arith.addi %parallel_loop3A_127, %parallel_loop3A_128 : i32
        %parallel_loop3A_130 = arith.index_cast %parallel_loop3A_129 : i32 to index
        %parallel_loop3A_131 = tpu.vector_load %arg11[%parallel_loop3A_130] {strides = array<i32>} : memref<8192xf32, #tpu.memory_space<vmem>>, vector<16xf32>,
        %parallel_loop3A_132 = arith.maximumf %parallel_loop3A_89, %parallel_loop3A_95 : vector<16xf32>
        %parallel_loop3A_133 = arith.maximumf %parallel_loop3A_101, %parallel_loop3A_107 : vector<16xf32>
        %parallel_loop3A_134 = arith.maximumf %parallel_loop3A_113, %parallel_loop3A_119 : vector<16xf32>
        %parallel_loop3A_135 = arith.maximumf %parallel_loop3A_125, %parallel_loop3A_131 : vector<16xf32>
        %parallel_loop3A_136 = arith.maximumf %parallel_loop3A_132, %parallel_loop3A_133 : vector<16xf32>
        %parallel_loop3A_137 = arith.maximumf %parallel_loop3A_134, %parallel_loop3A_135 : vector<16xf32>
        %parallel_loop3A_138 = arith.maximumf %parallel_loop3A_136, %parallel_loop3A_137 : vector<16xf32>
        %parallel_loop3A_139 = arith.maximumf %parallel_loop3A_83, %parallel_loop3A_138 : vector<16xf32>
        scf.yield %parallel_loop3A_139 : vector<16xf32>
      } {sc.loop_unroll_factor = 1 : i64, sc.parallel_access}
      %broadcast_in_dim3A_50 = arith.constant true
      %broadcast_in_dim3A_51 = vector.broadcast %broadcast_in_dim3A_50 : i1 to vector<16xi1>
      %masked_cummax3A = tpu.scan <max>, %parallel_loop3A_49 masked %broadcast_in_dim3A_51 : vector<16xf32>, vector<16xi1> -> vector<16xf32>
      %slice3A_52 = vector.extract_strided_slice %masked_cummax3A {offsets = [15], sizes = [1], strides = [1]} : vector<16xf32> to vector<1xf32>
      %squeeze3A_53 = vector.extract %slice3A_52[0] : f32 from vector<1xf32>
      %scan3A = arith.constant 8.190000e+02 : f32
      %scan3A_54 = arith.constant 0.000000e+00 : f32
      %scan3A_55 = arith.constant 0 : i32
      %scan3A_56 = arith.constant 24 : i32
      %scan3A_57 = arith.addi %scan3A_55, %scan3A_56 : i32
      %scan3A_58 = arith.constant 1 : i32
      %scan3A_59:2 = scf.for %scan3A_82 = %scan3A_55 to %scan3A_57 step %scan3A_58 iter_args(%scan3A_83 = %scan3A_54, %scan3A_84 = %squeeze3A_53) -> (f32, f32)  : i32 {
        %add3A_85 = arith.addf %scan3A_83, %scan3A_84 : f32
        %mul3A_86 = arith.constant 5.000000e-01 : f32
        %mul3A_87 = arith.mulf %add3A_85, %mul3A_86 : f32
        %parallel_loop3A_88 = arith.constant 0 : i32
        %parallel_loop3A_89 = arith.constant 64 : i32
        %parallel_loop3A_90 = arith.constant 1 : i32
        %parallel_loop3A_91 = scf.for %parallel_loop3A_99 = %parallel_loop3A_88 to %parallel_loop3A_89 step %parallel_loop3A_90 iter_args(%parallel_loop3A_100 = %broadcast_in_dim3A_40) -> (vector<16xf32>)  : i32 {
          %parallel_loop3A_101 = arith.constant 128 : i32
          %parallel_loop3A_102 = arith.muli %parallel_loop3A_99, %parallel_loop3A_101 : i32
          %parallel_loop3A_103 = arith.constant 0 : i32
          %parallel_loop3A_104 = arith.addi %parallel_loop3A_102, %parallel_loop3A_103 : i32
          %parallel_loop3A_105 = arith.index_cast %parallel_loop3A_104 : i32 to index
          %parallel_loop3A_106 = tpu.vector_load %arg11[%parallel_loop3A_105] {strides = array<i32>} : memref<8192xf32, #tpu.memory_space<vmem>>, vector<16xf32>,
          %parallel_loop3A_107 = vector.broadcast %mul3A_87 : f32 to vector<16xf32>
          %parallel_loop3A_108 = arith.cmpf oge, %parallel_loop3A_106, %parallel_loop3A_107 : vector<16xf32>
          %parallel_loop3A_109 = arith.select %parallel_loop3A_108, %broadcast_in_dim3A_38, %broadcast_in_dim3A_40 : vector<16xi1>, vector<16xf32>
          %parallel_loop3A_110 = arith.constant 128 : i32
          %parallel_loop3A_111 = arith.muli %parallel_loop3A_99, %parallel_loop3A_110 : i32
          %parallel_loop3A_112 = arith.constant 16 : i32
          %parallel_loop3A_113 = arith.addi %parallel_loop3A_111, %parallel_loop3A_112 : i32
          %parallel_loop3A_114 = arith.index_cast %parallel_loop3A_113 : i32 to index
          %parallel_loop3A_115 = tpu.vector_load %arg11[%parallel_loop3A_114] {strides = array<i32>} : memref<8192xf32, #tpu.memory_space<vmem>>, vector<16xf32>,
          %parallel_loop3A_116 = vector.broadcast %mul3A_87 : f32 to vector<16xf32>
          %parallel_loop3A_117 = arith.cmpf oge, %parallel_loop3A_115, %parallel_loop3A_116 : vector<16xf32>
          %parallel_loop3A_118 = arith.select %parallel_loop3A_117, %broadcast_in_dim3A_38, %broadcast_in_dim3A_40 : vector<16xi1>, vector<16xf32>
          %parallel_loop3A_119 = arith.constant 128 : i32
          %parallel_loop3A_120 = arith.muli %parallel_loop3A_99, %parallel_loop3A_119 : i32
          %parallel_loop3A_121 = arith.constant 32 : i32
          %parallel_loop3A_122 = arith.addi %parallel_loop3A_120, %parallel_loop3A_121 : i32
          %parallel_loop3A_123 = arith.index_cast %parallel_loop3A_122 : i32 to index
          %parallel_loop3A_124 = tpu.vector_load %arg11[%parallel_loop3A_123] {strides = array<i32>} : memref<8192xf32, #tpu.memory_space<vmem>>, vector<16xf32>,
          %parallel_loop3A_125 = vector.broadcast %mul3A_87 : f32 to vector<16xf32>
          %parallel_loop3A_126 = arith.cmpf oge, %parallel_loop3A_124, %parallel_loop3A_125 : vector<16xf32>
          %parallel_loop3A_127 = arith.select %parallel_loop3A_126, %broadcast_in_dim3A_38, %broadcast_in_dim3A_40 : vector<16xi1>, vector<16xf32>
          %parallel_loop3A_128 = arith.constant 128 : i32
          %parallel_loop3A_129 = arith.muli %parallel_loop3A_99, %parallel_loop3A_128 : i32
          %parallel_loop3A_130 = arith.constant 48 : i32
          %parallel_loop3A_131 = arith.addi %parallel_loop3A_129, %parallel_loop3A_130 : i32
          %parallel_loop3A_132 = arith.index_cast %parallel_loop3A_131 : i32 to index
          %parallel_loop3A_133 = tpu.vector_load %arg11[%parallel_loop3A_132] {strides = array<i32>} : memref<8192xf32, #tpu.memory_space<vmem>>, vector<16xf32>,
          %parallel_loop3A_134 = vector.broadcast %mul3A_87 : f32 to vector<16xf32>
          %parallel_loop3A_135 = arith.cmpf oge, %parallel_loop3A_133, %parallel_loop3A_134 : vector<16xf32>
          %parallel_loop3A_136 = arith.select %parallel_loop3A_135, %broadcast_in_dim3A_38, %broadcast_in_dim3A_40 : vector<16xi1>, vector<16xf32>
          %parallel_loop3A_137 = arith.constant 128 : i32
          %parallel_loop3A_138 = arith.muli %parallel_loop3A_99, %parallel_loop3A_137 : i32
          %parallel_loop3A_139 = arith.constant 64 : i32
          %parallel_loop3A_140 = arith.addi %parallel_loop3A_138, %parallel_loop3A_139 : i32
          %parallel_loop3A_141 = arith.index_cast %parallel_loop3A_140 : i32 to index
          %parallel_loop3A_142 = tpu.vector_load %arg11[%parallel_loop3A_141] {strides = array<i32>} : memref<8192xf32, #tpu.memory_space<vmem>>, vector<16xf32>,
          %parallel_loop3A_143 = vector.broadcast %mul3A_87 : f32 to vector<16xf32>
          %parallel_loop3A_144 = arith.cmpf oge, %parallel_loop3A_142, %parallel_loop3A_143 : vector<16xf32>
          %parallel_loop3A_145 = arith.select %parallel_loop3A_144, %broadcast_in_dim3A_38, %broadcast_in_dim3A_40 : vector<16xi1>, vector<16xf32>
          %parallel_loop3A_146 = arith.constant 128 : i32
          %parallel_loop3A_147 = arith.muli %parallel_loop3A_99, %parallel_loop3A_146 : i32
          %parallel_loop3A_148 = arith.constant 80 : i32
          %parallel_loop3A_149 = arith.addi %parallel_loop3A_147, %parallel_loop3A_148 : i32
          %parallel_loop3A_150 = arith.index_cast %parallel_loop3A_149 : i32 to index
          %parallel_loop3A_151 = tpu.vector_load %arg11[%parallel_loop3A_150] {strides = array<i32>} : memref<8192xf32, #tpu.memory_space<vmem>>, vector<16xf32>,
          %parallel_loop3A_152 = vector.broadcast %mul3A_87 : f32 to vector<16xf32>
          %parallel_loop3A_153 = arith.cmpf oge, %parallel_loop3A_151, %parallel_loop3A_152 : vector<16xf32>
          %parallel_loop3A_154 = arith.select %parallel_loop3A_153, %broadcast_in_dim3A_38, %broadcast_in_dim3A_40 : vector<16xi1>, vector<16xf32>
          %parallel_loop3A_155 = arith.constant 128 : i32
          %parallel_loop3A_156 = arith.muli %parallel_loop3A_99, %parallel_loop3A_155 : i32
          %parallel_loop3A_157 = arith.constant 96 : i32
          %parallel_loop3A_158 = arith.addi %parallel_loop3A_156, %parallel_loop3A_157 : i32
          %parallel_loop3A_159 = arith.index_cast %parallel_loop3A_158 : i32 to index
          %parallel_loop3A_160 = tpu.vector_load %arg11[%parallel_loop3A_159] {strides = array<i32>} : memref<8192xf32, #tpu.memory_space<vmem>>, vector<16xf32>,
          %parallel_loop3A_161 = vector.broadcast %mul3A_87 : f32 to vector<16xf32>
          %parallel_loop3A_162 = arith.cmpf oge, %parallel_loop3A_160, %parallel_loop3A_161 : vector<16xf32>
          %parallel_loop3A_163 = arith.select %parallel_loop3A_162, %broadcast_in_dim3A_38, %broadcast_in_dim3A_40 : vector<16xi1>, vector<16xf32>
          %parallel_loop3A_164 = arith.constant 128 : i32
          %parallel_loop3A_165 = arith.muli %parallel_loop3A_99, %parallel_loop3A_164 : i32
          %parallel_loop3A_166 = arith.constant 112 : i32
          %parallel_loop3A_167 = arith.addi %parallel_loop3A_165, %parallel_loop3A_166 : i32
          %parallel_loop3A_168 = arith.index_cast %parallel_loop3A_167 : i32 to index
          %parallel_loop3A_169 = tpu.vector_load %arg11[%parallel_loop3A_168] {strides = array<i32>} : memref<8192xf32, #tpu.memory_space<vmem>>, vector<16xf32>,
          %parallel_loop3A_170 = vector.broadcast %mul3A_87 : f32 to vector<16xf32>
          %parallel_loop3A_171 = arith.cmpf oge, %parallel_loop3A_169, %parallel_loop3A_170 : vector<16xf32>
          %parallel_loop3A_172 = arith.select %parallel_loop3A_171, %broadcast_in_dim3A_38, %broadcast_in_dim3A_40 : vector<16xi1>, vector<16xf32>
          %parallel_loop3A_173 = arith.addf %parallel_loop3A_109, %parallel_loop3A_118 : vector<16xf32>
          %parallel_loop3A_174 = arith.addf %parallel_loop3A_127, %parallel_loop3A_136 : vector<16xf32>
          %parallel_loop3A_175 = arith.addf %parallel_loop3A_145, %parallel_loop3A_154 : vector<16xf32>
          %parallel_loop3A_176 = arith.addf %parallel_loop3A_163, %parallel_loop3A_172 : vector<16xf32>
          %parallel_loop3A_177 = arith.addf %parallel_loop3A_173, %parallel_loop3A_174 : vector<16xf32>
          %parallel_loop3A_178 = arith.addf %parallel_loop3A_175, %parallel_loop3A_176 : vector<16xf32>
          %parallel_loop3A_179 = arith.addf %parallel_loop3A_177, %parallel_loop3A_178 : vector<16xf32>
          %parallel_loop3A_180 = arith.addf %parallel_loop3A_100, %parallel_loop3A_179 : vector<16xf32>
          scf.yield %parallel_loop3A_180 : vector<16xf32>
        } {sc.loop_unroll_factor = 1 : i64, sc.parallel_access}
        %broadcast_in_dim3A_92 = arith.constant true
        %broadcast_in_dim3A_93 = vector.broadcast %broadcast_in_dim3A_92 : i1 to vector<16xi1>
        %masked_cumsum3A_94 = tpu.scan <sum>, %parallel_loop3A_91 masked %broadcast_in_dim3A_93 : vector<16xf32>, vector<16xi1> -> vector<16xf32>
        %slice3A_95 = vector.extract_strided_slice %masked_cumsum3A_94 {offsets = [15], sizes = [1], strides = [1]} : vector<16xf32> to vector<1xf32>
        %squeeze3A_96 = vector.extract %slice3A_95[0] : f32 from vector<1xf32>
        %ge3A = arith.cmpf oge, %squeeze3A_96, %scan3A : f32
        %select_n3A_97 = arith.select %ge3A, %mul3A_87, %scan3A_83 : f32
        %select_n3A_98 = arith.select %ge3A, %scan3A_84, %mul3A_87 : f32
        scf.yield %select_n3A_97, %select_n3A_98 : f32, f32
      }
      %scan3A_60 = arith.constant 24 : i32
      %parallel_loop3A_61 = arith.constant 0 : i32
      %parallel_loop3A_62 = arith.constant 64 : i32
      %parallel_loop3A_63 = arith.constant 1 : i32
      %parallel_loop3A_64:2 = scf.for %parallel_loop3A_82 = %parallel_loop3A_61 to %parallel_loop3A_62 step %parallel_loop3A_63 iter_args(%parallel_loop3A_83 = %broadcast_in_dim3A_40, %parallel_loop3A_84 = %broadcast_in_dim3A_40) -> (vector<16xf32>, vector<16xf32>)  : i32 {
        %parallel_loop3A_85 = arith.constant 128 : i32
        %parallel_loop3A_86 = arith.muli %parallel_loop3A_82, %parallel_loop3A_85 : i32
        %parallel_loop3A_87 = arith.constant 0 : i32
        %parallel_loop3A_88 = arith.addi %parallel_loop3A_86, %parallel_loop3A_87 : i32
        %parallel_loop3A_89 = arith.index_cast %parallel_loop3A_88 : i32 to index
        %parallel_loop3A_90 = tpu.vector_load %arg11[%parallel_loop3A_89] {strides = array<i32>} : memref<8192xf32, #tpu.memory_space<vmem>>, vector<16xf32>,
        %parallel_loop3A_91 = vector.broadcast %scan3A_59#0 : f32 to vector<16xf32>
        %parallel_loop3A_92 = arith.cmpf ogt, %parallel_loop3A_90, %parallel_loop3A_91 : vector<16xf32>
        %parallel_loop3A_93 = arith.select %parallel_loop3A_92, %parallel_loop3A_90, %broadcast_in_dim3A_40 : vector<16xi1>, vector<16xf32>
        %parallel_loop3A_94 = arith.select %parallel_loop3A_92, %broadcast_in_dim3A_38, %broadcast_in_dim3A_40 : vector<16xi1>, vector<16xf32>
        %parallel_loop3A_95 = arith.constant 128 : i32
        %parallel_loop3A_96 = arith.muli %parallel_loop3A_82, %parallel_loop3A_95 : i32
        %parallel_loop3A_97 = arith.constant 16 : i32
        %parallel_loop3A_98 = arith.addi %parallel_loop3A_96, %parallel_loop3A_97 : i32
        %parallel_loop3A_99 = arith.index_cast %parallel_loop3A_98 : i32 to index
        %parallel_loop3A_100 = tpu.vector_load %arg11[%parallel_loop3A_99] {strides = array<i32>} : memref<8192xf32, #tpu.memory_space<vmem>>, vector<16xf32>,
        %parallel_loop3A_101 = vector.broadcast %scan3A_59#0 : f32 to vector<16xf32>
        %parallel_loop3A_102 = arith.cmpf ogt, %parallel_loop3A_100, %parallel_loop3A_101 : vector<16xf32>
        %parallel_loop3A_103 = arith.select %parallel_loop3A_102, %parallel_loop3A_100, %broadcast_in_dim3A_40 : vector<16xi1>, vector<16xf32>
        %parallel_loop3A_104 = arith.select %parallel_loop3A_102, %broadcast_in_dim3A_38, %broadcast_in_dim3A_40 : vector<16xi1>, vector<16xf32>
        %parallel_loop3A_105 = arith.constant 128 : i32
        %parallel_loop3A_106 = arith.muli %parallel_loop3A_82, %parallel_loop3A_105 : i32
        %parallel_loop3A_107 = arith.constant 32 : i32
        %parallel_loop3A_108 = arith.addi %parallel_loop3A_106, %parallel_loop3A_107 : i32
        %parallel_loop3A_109 = arith.index_cast %parallel_loop3A_108 : i32 to index
        %parallel_loop3A_110 = tpu.vector_load %arg11[%parallel_loop3A_109] {strides = array<i32>} : memref<8192xf32, #tpu.memory_space<vmem>>, vector<16xf32>,
        %parallel_loop3A_111 = vector.broadcast %scan3A_59#0 : f32 to vector<16xf32>
        %parallel_loop3A_112 = arith.cmpf ogt, %parallel_loop3A_110, %parallel_loop3A_111 : vector<16xf32>
        %parallel_loop3A_113 = arith.select %parallel_loop3A_112, %parallel_loop3A_110, %broadcast_in_dim3A_40 : vector<16xi1>, vector<16xf32>
        %parallel_loop3A_114 = arith.select %parallel_loop3A_112, %broadcast_in_dim3A_38, %broadcast_in_dim3A_40 : vector<16xi1>, vector<16xf32>
        %parallel_loop3A_115 = arith.constant 128 : i32
        %parallel_loop3A_116 = arith.muli %parallel_loop3A_82, %parallel_loop3A_115 : i32
        %parallel_loop3A_117 = arith.constant 48 : i32
        %parallel_loop3A_118 = arith.addi %parallel_loop3A_116, %parallel_loop3A_117 : i32
        %parallel_loop3A_119 = arith.index_cast %parallel_loop3A_118 : i32 to index
        %parallel_loop3A_120 = tpu.vector_load %arg11[%parallel_loop3A_119] {strides = array<i32>} : memref<8192xf32, #tpu.memory_space<vmem>>, vector<16xf32>,
        %parallel_loop3A_121 = vector.broadcast %scan3A_59#0 : f32 to vector<16xf32>
        %parallel_loop3A_122 = arith.cmpf ogt, %parallel_loop3A_120, %parallel_loop3A_121 : vector<16xf32>
        %parallel_loop3A_123 = arith.select %parallel_loop3A_122, %parallel_loop3A_120, %broadcast_in_dim3A_40 : vector<16xi1>, vector<16xf32>
        %parallel_loop3A_124 = arith.select %parallel_loop3A_122, %broadcast_in_dim3A_38, %broadcast_in_dim3A_40 : vector<16xi1>, vector<16xf32>
        %parallel_loop3A_125 = arith.constant 128 : i32
        %parallel_loop3A_126 = arith.muli %parallel_loop3A_82, %parallel_loop3A_125 : i32
        %parallel_loop3A_127 = arith.constant 64 : i32
        %parallel_loop3A_128 = arith.addi %parallel_loop3A_126, %parallel_loop3A_127 : i32
        %parallel_loop3A_129 = arith.index_cast %parallel_loop3A_128 : i32 to index
        %parallel_loop3A_130 = tpu.vector_load %arg11[%parallel_loop3A_129] {strides = array<i32>} : memref<8192xf32, #tpu.memory_space<vmem>>, vector<16xf32>,
        %parallel_loop3A_131 = vector.broadcast %scan3A_59#0 : f32 to vector<16xf32>
        %parallel_loop3A_132 = arith.cmpf ogt, %parallel_loop3A_130, %parallel_loop3A_131 : vector<16xf32>
        %parallel_loop3A_133 = arith.select %parallel_loop3A_132, %parallel_loop3A_130, %broadcast_in_dim3A_40 : vector<16xi1>, vector<16xf32>
        %parallel_loop3A_134 = arith.select %parallel_loop3A_132, %broadcast_in_dim3A_38, %broadcast_in_dim3A_40 : vector<16xi1>, vector<16xf32>
        %parallel_loop3A_135 = arith.constant 128 : i32
        %parallel_loop3A_136 = arith.muli %parallel_loop3A_82, %parallel_loop3A_135 : i32
        %parallel_loop3A_137 = arith.constant 80 : i32
        %parallel_loop3A_138 = arith.addi %parallel_loop3A_136, %parallel_loop3A_137 : i32
        %parallel_loop3A_139 = arith.index_cast %parallel_loop3A_138 : i32 to index
        %parallel_loop3A_140 = tpu.vector_load %arg11[%parallel_loop3A_139] {strides = array<i32>} : memref<8192xf32, #tpu.memory_space<vmem>>, vector<16xf32>,
        %parallel_loop3A_141 = vector.broadcast %scan3A_59#0 : f32 to vector<16xf32>
        %parallel_loop3A_142 = arith.cmpf ogt, %parallel_loop3A_140, %parallel_loop3A_141 : vector<16xf32>
        %parallel_loop3A_143 = arith.select %parallel_loop3A_142, %parallel_loop3A_140, %broadcast_in_dim3A_40 : vector<16xi1>, vector<16xf32>
        %parallel_loop3A_144 = arith.select %parallel_loop3A_142, %broadcast_in_dim3A_38, %broadcast_in_dim3A_40 : vector<16xi1>, vector<16xf32>
        %parallel_loop3A_145 = arith.constant 128 : i32
        %parallel_loop3A_146 = arith.muli %parallel_loop3A_82, %parallel_loop3A_145 : i32
        %parallel_loop3A_147 = arith.constant 96 : i32
        %parallel_loop3A_148 = arith.addi %parallel_loop3A_146, %parallel_loop3A_147 : i32
        %parallel_loop3A_149 = arith.index_cast %parallel_loop3A_148 : i32 to index
        %parallel_loop3A_150 = tpu.vector_load %arg11[%parallel_loop3A_149] {strides = array<i32>} : memref<8192xf32, #tpu.memory_space<vmem>>, vector<16xf32>,
        %parallel_loop3A_151 = vector.broadcast %scan3A_59#0 : f32 to vector<16xf32>
        %parallel_loop3A_152 = arith.cmpf ogt, %parallel_loop3A_150, %parallel_loop3A_151 : vector<16xf32>
        %parallel_loop3A_153 = arith.select %parallel_loop3A_152, %parallel_loop3A_150, %broadcast_in_dim3A_40 : vector<16xi1>, vector<16xf32>
        %parallel_loop3A_154 = arith.select %parallel_loop3A_152, %broadcast_in_dim3A_38, %broadcast_in_dim3A_40 : vector<16xi1>, vector<16xf32>
        %parallel_loop3A_155 = arith.constant 128 : i32
        %parallel_loop3A_156 = arith.muli %parallel_loop3A_82, %parallel_loop3A_155 : i32
        %parallel_loop3A_157 = arith.constant 112 : i32
        %parallel_loop3A_158 = arith.addi %parallel_loop3A_156, %parallel_loop3A_157 : i32
        %parallel_loop3A_159 = arith.index_cast %parallel_loop3A_158 : i32 to index
        %parallel_loop3A_160 = tpu.vector_load %arg11[%parallel_loop3A_159] {strides = array<i32>} : memref<8192xf32, #tpu.memory_space<vmem>>, vector<16xf32>,
        %parallel_loop3A_161 = vector.broadcast %scan3A_59#0 : f32 to vector<16xf32>
        %parallel_loop3A_162 = arith.cmpf ogt, %parallel_loop3A_160, %parallel_loop3A_161 : vector<16xf32>
        %parallel_loop3A_163 = arith.select %parallel_loop3A_162, %parallel_loop3A_160, %broadcast_in_dim3A_40 : vector<16xi1>, vector<16xf32>
        %parallel_loop3A_164 = arith.select %parallel_loop3A_162, %broadcast_in_dim3A_38, %broadcast_in_dim3A_40 : vector<16xi1>, vector<16xf32>
        %parallel_loop3A_165 = arith.addf %parallel_loop3A_93, %parallel_loop3A_103 : vector<16xf32>
        %parallel_loop3A_166 = arith.addf %parallel_loop3A_113, %parallel_loop3A_123 : vector<16xf32>
        %parallel_loop3A_167 = arith.addf %parallel_loop3A_133, %parallel_loop3A_143 : vector<16xf32>
        %parallel_loop3A_168 = arith.addf %parallel_loop3A_153, %parallel_loop3A_163 : vector<16xf32>
        %parallel_loop3A_169 = arith.addf %parallel_loop3A_165, %parallel_loop3A_166 : vector<16xf32>
        %parallel_loop3A_170 = arith.addf %parallel_loop3A_167, %parallel_loop3A_168 : vector<16xf32>
        %parallel_loop3A_171 = arith.addf %parallel_loop3A_169, %parallel_loop3A_170 : vector<16xf32>
        %parallel_loop3A_172 = arith.addf %parallel_loop3A_83, %parallel_loop3A_171 : vector<16xf32>
        %parallel_loop3A_173 = arith.addf %parallel_loop3A_94, %parallel_loop3A_104 : vector<16xf32>
        %parallel_loop3A_174 = arith.addf %parallel_loop3A_114, %parallel_loop3A_124 : vector<16xf32>
        %parallel_loop3A_175 = arith.addf %parallel_loop3A_134, %parallel_loop3A_144 : vector<16xf32>
        %parallel_loop3A_176 = arith.addf %parallel_loop3A_154, %parallel_loop3A_164 : vector<16xf32>
        %parallel_loop3A_177 = arith.addf %parallel_loop3A_173, %parallel_loop3A_174 : vector<16xf32>
        %parallel_loop3A_178 = arith.addf %parallel_loop3A_175, %parallel_loop3A_176 : vector<16xf32>
        %parallel_loop3A_179 = arith.addf %parallel_loop3A_177, %parallel_loop3A_178 : vector<16xf32>
        %parallel_loop3A_180 = arith.addf %parallel_loop3A_84, %parallel_loop3A_179 : vector<16xf32>
        scf.yield %parallel_loop3A_172, %parallel_loop3A_180 : vector<16xf32>, vector<16xf32>
      } {sc.loop_unroll_factor = 1 : i64, sc.parallel_access}
      %broadcast_in_dim3A_65 = arith.constant true
      %broadcast_in_dim3A_66 = vector.broadcast %broadcast_in_dim3A_65 : i1 to vector<16xi1>
      %masked_cumsum3A = tpu.scan <sum>, %parallel_loop3A_64#0 masked %broadcast_in_dim3A_66 : vector<16xf32>, vector<16xi1> -> vector<16xf32>
      %slice3A_67 = vector.extract_strided_slice %masked_cumsum3A {offsets = [15], sizes = [1], strides = [1]} : vector<16xf32> to vector<1xf32>
      %squeeze3A_68 = vector.extract %slice3A_67[0] : f32 from vector<1xf32>
      %broadcast_in_dim3A_69 = arith.constant true
      %broadcast_in_dim3A_70 = vector.broadcast %broadcast_in_dim3A_69 : i1 to vector<16xi1>
      %masked_cumsum3A_71 = tpu.scan <sum>, %parallel_loop3A_64#1 masked %broadcast_in_dim3A_70 : vector<16xf32>, vector<16xi1> -> vector<16xf32>
      %slice3A_72 = vector.extract_strided_slice %masked_cumsum3A_71 {offsets = [15], sizes = [1], strides = [1]} : vector<16xf32> to vector<1xf32>
      %squeeze3A_73 = vector.extract %slice3A_72[0] : f32 from vector<1xf32>
      %sub3A_74 = arith.constant 8.190000e+02 : f32
      %sub3A_75 = arith.subf %sub3A_74, %squeeze3A_73 : f32
      %mul3A_76 = arith.mulf %sub3A_75, %scan3A_59#0 : f32
      %add3A_77 = arith.addf %squeeze3A_68, %mul3A_76 : f32
      %mul3A_78 = arith.constant 0.00122100126 : f32
      %mul3A_79 = arith.mulf %add3A_77, %mul3A_78 : f32
      %broadcast_in_dim3A_80 = vector.broadcast %mul3A_79 : f32 to vector<16xf32>
      %swap3A = arith.constant 0 : index
      %swap3A_81 = tpu.vector_load %arg12[%swap3A] {strides = array<i32>} : memref<16xf32, #tpu.memory_space<vmem>>, vector<16xf32>,
      tpu.vector_store %arg12[%swap3A], %broadcast_in_dim3A_80 {strides = array<i32>} : memref<16xf32, #tpu.memory_space<vmem>>, vector<16xf32>,
      "tpu.region"() ({
        %run_scoped3A = tpu.sem_alloc : memref<!tpu.dma_semaphore, #tpu.memory_space<semaphore_mem>>
        %dma_start3A = arith.constant 0 : i32
        %dma_start3A_82 = tpu.memref_slice %arg5[%add3A_30, %dma_start3A] : memref<6x16xf32, #tpu.memory_space<hbm>> -> memref<1x16xf32, #tpu.memory_space<hbm>>
        %dma_start3A_83 = tpu.memref_squeeze %dma_start3A_82 : memref<1x16xf32, #tpu.memory_space<hbm>> -> memref<16xf32, #tpu.memory_space<hbm>>
        %dma_start3A_84 = arith.constant 0 : i32
        %dma_start3A_85 = tpu.memref_slice %arg5[%add3A_30, %dma_start3A_84] : memref<6x16xf32, #tpu.memory_space<hbm>> -> memref<1x16xf32, #tpu.memory_space<hbm>>
        %dma_start3A_86 = tpu.memref_squeeze %dma_start3A_85 : memref<1x16xf32, #tpu.memory_space<hbm>> -> memref<16xf32, #tpu.memory_space<hbm>>
        tpu.enqueue_dma source(%arg12 : memref<16xf32, #tpu.memory_space<vmem>>) target(%dma_start3A_86 : memref<16xf32, #tpu.memory_space<hbm>>) target_semaphore(%run_scoped3A : memref<!tpu.dma_semaphore, #tpu.memory_space<semaphore_mem>>)
        %dma_wait3A = arith.constant 0 : i32
        %dma_wait3A_87 = tpu.memref_slice %arg5[%add3A_30, %dma_wait3A] : memref<6x16xf32, #tpu.memory_space<hbm>> -> memref<1x16xf32, #tpu.memory_space<hbm>>
        %dma_wait3A_88 = tpu.memref_squeeze %dma_wait3A_87 : memref<1x16xf32, #tpu.memory_space<hbm>> -> memref<16xf32, #tpu.memory_space<hbm>>
        %dma_wait3A_89 = arith.constant 0 : i32
        %dma_wait3A_90 = tpu.memref_slice %arg5[%add3A_30, %dma_wait3A_89] : memref<6x16xf32, #tpu.memory_space<hbm>> -> memref<1x16xf32, #tpu.memory_space<hbm>>
        %dma_wait3A_91 = tpu.memref_squeeze %dma_wait3A_90 : memref<1x16xf32, #tpu.memory_space<hbm>> -> memref<16xf32, #tpu.memory_space<hbm>>
        tpu.wait_dma2 semaphore(%run_scoped3A : memref<!tpu.dma_semaphore, #tpu.memory_space<semaphore_mem>>) src(%arg12 : memref<16xf32, #tpu.memory_space<vmem>>) dst(%dma_wait3A_91 : memref<16xf32, #tpu.memory_space<hbm>>)
        tpu.yield
      }) : () -> ()
    } else {
    }
    return
  }
}

module attributes {stable_mosaic.version = 14 : i64} {
  func.func @_tc_body(%arg0: i32, %arg1: memref<1x128x8192xf32, #tpu.memory_space<vmem>>, %arg2: memref<1x128xf32, #tpu.memory_space<vmem>>, %arg3: memref<1x1xf32, #tpu.memory_space<smem>>, %arg4: memref<26x1xf32, #tpu.memory_space<vmem>>, %arg5: memref<26x8192xf32, #tpu.memory_space<vmem>>) attributes {dimension_semantics = [#tpu.dimension_semantics<arbitrary>], iteration_bounds = array<i64: 26>, scalar_prefetch = 0 : i64, scratch_operands = 1 : i64, tpu.core_type = #tpu.core_type<tc>, window_params = [{transform_indices = @transform_0, window_bounds = array<i64: 1, 128, 8192>}, {pipeline_mode = #tpu.pipeline_mode<synchronous>, transform_indices = @transform_1, window_bounds = array<i64: 1, 128>}, {transform_indices = @transform_2, window_bounds = array<i64: 1, 1>}, {pipeline_mode = #tpu.pipeline_mode<synchronous>, transform_indices = @transform_3, window_bounds = array<i64: 26, 1>}]} {
    %get3A = arith.constant 0 : index
    %get3A_0 = arith.constant 0 : index
    %get3A_1 = vector.load %arg2[%get3A, %get3A_0] : memref<1x128xf32, #tpu.memory_space<vmem>>, vector<1x128xf32>
    %get3A_2 = arith.constant 0 : index
    %get3A_3 = arith.constant 0 : index
    %get3A_4 = arith.constant 0 : index
    %get3A_5 = vector.load %arg1[%get3A_2, %get3A_3, %get3A_4] : memref<1x128x8192xf32, #tpu.memory_space<vmem>>, vector<1x128x8192xf32>
    %get3A_6 = vector.shape_cast %get3A_5 : vector<1x128x8192xf32> to vector<128x8192xf32>
    %dot_general3A = arith.constant dense<0.000000e+00> : vector<1x8192xf32>
    %dot_general3A_7 = tpu.matmul %get3A_1, %get3A_6, %dot_general3A {dimension_numbers = #tpu.dot_dimension_numbers<[1], [0], [0], [1], [0, 0, 1, 1], [], []>, transpose_lhs_hint = false} : vector<1x128xf32>, vector<128x8192xf32>, vector<1x8192xf32> -> vector<1x8192xf32>
    %get3A_8 = arith.constant 0 : index
    %get3A_9 = arith.constant 0 : index
    %get3A_10 = memref.load %arg3[%get3A_8, %get3A_9] : memref<1x1xf32, #tpu.memory_space<smem>>
    %add3A = vector.broadcast %get3A_10 : f32 to vector<1x8192xf32>
    %add3A_11 = arith.addf %dot_general3A_7, %add3A : vector<1x8192xf32>
    %abs3A = math.absf %add3A_11 : vector<1x8192xf32>
    %swap3A = arith.index_cast %arg0 : i32 to index
    %swap3A_12 = arith.constant 0 : index
    %swap3A_13 = vector.load %arg5[%swap3A, %swap3A_12] : memref<26x8192xf32, #tpu.memory_space<vmem>>, vector<1x8192xf32>
    tpu.vector_store %arg5[%swap3A, %swap3A_12], %abs3A {strides = array<i32>} : memref<26x8192xf32, #tpu.memory_space<vmem>>, vector<1x8192xf32>,
    %eq3A = arith.constant 25 : i32
    %eq3A_14 = arith.cmpi eq, %arg0, %eq3A : i32
    %convert_element_type3A = arith.extui %eq3A_14 : i1 to i32
    %cond3A = arith.constant 0 : i32
    %cond3A_15 = arith.cmpi ne, %convert_element_type3A, %cond3A : i32
    scf.if %cond3A_15 {
      %get3A_16 = arith.constant 0 : index
      %get3A_17 = arith.constant 0 : index
      %get3A_18 = vector.load %arg5[%get3A_16, %get3A_17] : memref<26x8192xf32, #tpu.memory_space<vmem>>, vector<26x8192xf32>
      %reduce_max3A = arith.constant dense<0xFF800000> : vector<26xf32>
      %reduce_max3A_19 = vector.multi_reduction <maximumf>, %get3A_18, %reduce_max3A [1] : vector<26x8192xf32> to vector<26xf32>
      %broadcast_in_dim3A = vector.shape_cast %reduce_max3A_19 : vector<26xf32> to vector<26x1xf32>
      %broadcast_in_dim3A_20 = arith.constant 0.000000e+00 : f32
      %broadcast_in_dim3A_21 = vector.broadcast %broadcast_in_dim3A_20 : f32 to vector<26x1xf32>
      %scan3A = arith.constant 0 : i32
      %scan3A_22 = arith.constant 30 : i32
      %scan3A_23 = arith.addi %scan3A, %scan3A_22 : i32
      %scan3A_24 = arith.constant 1 : i32
      %scan3A_25:2 = scf.for %scan3A_44 = %scan3A to %scan3A_23 step %scan3A_24 iter_args(%scan3A_45 = %broadcast_in_dim3A_21, %scan3A_46 = %broadcast_in_dim3A) -> (vector<26x1xf32>, vector<26x1xf32>)  : i32 {
        %add3A_47 = arith.addf %scan3A_45, %scan3A_46 : vector<26x1xf32>
        %mul3A_48 = arith.constant 5.000000e-01 : f32
        %mul3A_49 = vector.broadcast %mul3A_48 : f32 to vector<26x1xf32>
        %mul3A_50 = arith.mulf %add3A_47, %mul3A_49 : vector<26x1xf32>
        %ge3A = vector.broadcast %mul3A_50 : vector<26x1xf32> to vector<26x8192xf32>
        %ge3A_51 = arith.cmpf oge, %get3A_18, %ge3A : vector<26x8192xf32>
        %convert_element_type3A_52 = arith.extui %ge3A_51 : vector<26x8192xi1> to vector<26x8192xi32>
        %convert_element_type3A_53 = arith.sitofp %convert_element_type3A_52 : vector<26x8192xi32> to vector<26x8192xf32>
        %reduce_sum3A_54 = arith.constant dense<0.000000e+00> : vector<26xf32>
        %reduce_sum3A_55 = vector.multi_reduction <add>, %convert_element_type3A_53, %reduce_sum3A_54 [1] : vector<26x8192xf32> to vector<26xf32>
        %broadcast_in_dim3A_56 = vector.shape_cast %reduce_sum3A_55 : vector<26xf32> to vector<26x1xf32>
        %ge3A_57 = arith.constant 8.190000e+02 : f32
        %ge3A_58 = vector.broadcast %ge3A_57 : f32 to vector<26x1xf32>
        %ge3A_59 = arith.cmpf oge, %broadcast_in_dim3A_56, %ge3A_58 : vector<26x1xf32>
        %select_n3A_60 = arith.select %ge3A_59, %mul3A_50, %scan3A_45 : vector<26x1xi1>, vector<26x1xf32>
        %select_n3A_61 = arith.select %ge3A_59, %scan3A_46, %mul3A_50 : vector<26x1xi1>, vector<26x1xf32>
        scf.yield %select_n3A_60, %select_n3A_61 : vector<26x1xf32>, vector<26x1xf32>
      }
      %gt3A = vector.broadcast %scan3A_25#0 : vector<26x1xf32> to vector<26x8192xf32>
      %gt3A_26 = arith.cmpf ogt, %get3A_18, %gt3A : vector<26x8192xf32>
      %convert_element_type3A_27 = arith.extui %gt3A_26 : vector<26x8192xi1> to vector<26x8192xi32>
      %convert_element_type3A_28 = arith.sitofp %convert_element_type3A_27 : vector<26x8192xi32> to vector<26x8192xf32>
      %reduce_sum3A = arith.constant dense<0.000000e+00> : vector<26xf32>
      %reduce_sum3A_29 = vector.multi_reduction <add>, %convert_element_type3A_28, %reduce_sum3A [1] : vector<26x8192xf32> to vector<26xf32>
      %broadcast_in_dim3A_30 = vector.shape_cast %reduce_sum3A_29 : vector<26xf32> to vector<26x1xf32>
      %jit3A = arith.constant 0.000000e+00 : f32
      %broadcast_in_dim3A_31 = vector.broadcast %jit3A : f32 to vector<26x8192xf32>
      %select_n3A = arith.select %gt3A_26, %get3A_18, %broadcast_in_dim3A_31 : vector<26x8192xi1>, vector<26x8192xf32>
      %reduce_sum3A_32 = arith.constant dense<0.000000e+00> : vector<26xf32>
      %reduce_sum3A_33 = vector.multi_reduction <add>, %select_n3A, %reduce_sum3A_32 [1] : vector<26x8192xf32> to vector<26xf32>
      %broadcast_in_dim3A_34 = vector.shape_cast %reduce_sum3A_33 : vector<26xf32> to vector<26x1xf32>
      %sub3A = arith.constant 8.190000e+02 : f32
      %sub3A_35 = vector.broadcast %sub3A : f32 to vector<26x1xf32>
      %sub3A_36 = arith.subf %sub3A_35, %broadcast_in_dim3A_30 : vector<26x1xf32>
      %mul3A = arith.mulf %sub3A_36, %scan3A_25#0 : vector<26x1xf32>
      %add3A_37 = arith.addf %broadcast_in_dim3A_34, %mul3A : vector<26x1xf32>
      %mul3A_38 = arith.constant 0.00122100126 : f32
      %mul3A_39 = vector.broadcast %mul3A_38 : f32 to vector<26x1xf32>
      %mul3A_40 = arith.mulf %add3A_37, %mul3A_39 : vector<26x1xf32>
      %swap3A_41 = arith.constant 0 : index
      %swap3A_42 = arith.constant 0 : index
      %swap3A_43 = vector.load %arg4[%swap3A_41, %swap3A_42] : memref<26x1xf32, #tpu.memory_space<vmem>>, vector<26x1xf32>
      tpu.vector_store %arg4[%swap3A_41, %swap3A_42], %mul3A_40 {strides = array<i32>} : memref<26x1xf32, #tpu.memory_space<vmem>>, vector<26x1xf32>,
    } else {
    }
    return
  }
  func.func @transform_0(%arg0: i32) -> (i32, i32, i32) {
    %c0_i32 = arith.constant 0 : i32
    %c0_i32_0 = arith.constant 0 : i32
    %c0_i32_1 = arith.constant 0 : i32
    return %arg0, %c0_i32, %c0_i32_0 : i32, i32, i32
  }
  func.func @transform_1(%arg0: i32) -> (i32, i32) {
    %c0_i32 = arith.constant 0 : i32
    %c0_i32_0 = arith.constant 0 : i32
    %c0_i32_1 = arith.constant 0 : i32
    return %c0_i32, %c0_i32_0 : i32, i32
  }
  func.func @transform_2(%arg0: i32) -> (i32, i32) {
    %c0_i32 = arith.constant 0 : i32
    %c0_i32_0 = arith.constant 0 : i32
    %c0_i32_1 = arith.constant 0 : i32
    return %c0_i32, %c0_i32_0 : i32, i32
  }
  func.func @transform_3(%arg0: i32) -> (i32, i32) {
    %c0_i32 = arith.constant 0 : i32
    %c0_i32_0 = arith.constant 0 : i32
    %c0_i32_1 = arith.constant 0 : i32
    return %c0_i32, %c0_i32_0 : i32, i32
  }
}

</mosaic_0001>

<sc_bundles>
// kernel: kernel.4.cloned.1.call-start
scs
__scs_entry_jumppad:
0x0: {  	(pc) =	sbr.rel $0x88, $3  }
0x1: {  	(tag) =	ssettag $0x0;
	lr =	simm.s32 $0x1  }
0x2: {  	[smem:$0x3F9E] =	sst lr;
	_ =	strace $0xD0000000  }
0x3: {  	_ = 	snop  }
0x4: {  	_ = 	snop  }
0x5: {  	_ = 	snop  }
0x6: {  	_ = 	snop  }
0x7: {  	_ = 	snop  }
__scs_overlays_trampoline_lowered:
0x8: {  	[smem:$0x3FAD] =	sst s0  }
0x9: {  	[smem:$0x3FAE] =	sst s1  }
0xa: {  	[smem:$0x3FAF] =	sst s2  }
0xb: {  	[smem:$0x3FB0] =	sst s3  }
0xc: {  	[smem:$0x3FB1] =	sst s4  }
0xd: {  	[smem:$0x3FB2] =	sst s5  }
0xe: {  	[smem:$0x3FB3] =	sst s6  }
0xf: {  	[smem:$0x3FB4] =	sst s7  }
0x10: {  	[smem:$0x3FB5] =	sst s8  }
0x11: {  	[smem:$0x3FB6] =	sst s9;
	s0 =	simm.s32 @!p0 $0x0  }
0x12: {  	s1 =	sld [smem:$0x3F9C];
	s0 =	simm.s32 @p0 $0x1  }
0x13: {  	[smem:$0x3FB7] =	sst s0;
	s0 =	simm.s32 @!p1 $0x0  }
0x14: {  	s2 =	sld [smem:$0x3F9B];
	s0 =	simm.s32 @p1 $0x1  }
0x15: {  	[smem:$0x3FB8] =	sst s0;
	s0 =	simm.s32 @!p2 $0x0  }
0x16: {  	s3 =	sld [smem:$0x3FDB];
	s0 =	simm.s32 @p2 $0x1  }
0x17: {  	s4 =	simm.s32 $0x1BF5;
	[smem:$0x3FBA] =	sst s0  }
0x18: {  	s0 =	sld [smem:$0x3F9D];
	_ =	swait.ge [sflag:s4], $0x0  }
0x19: {  	s7 =	sld [smem:$0x3F9E]  }
0x1a: {  	s8 =	sadd.s32 $0xFFFFE003, lr  }
0x1b: {  	s9 =	sadd.s32 $0xFFFFFEF7, lr;
	s5 =	simm.s32 $0xFFFFFFFF;
	p2 =	slt.u32 s8, $0xFFFFF086  }
0x1c: {  	p1 =	slt.u32 s9, $0xF7A;
	s5 =	simm.s32 @!p2 $0x0  }
0x1d: {  	s5 =	simm.s32 @p1 $0x1;
	p0 =	seq.s32 s7, s2  }
0x1e: {  	s7 =	smul.u32 @!p0 $0xF7A, s2;
	p2 =	seq.s32 @!p0 s5, $0x0  }
0x1f: {  	s9 =	smul.u32 $0xF7A, s1;
	s8 =	simm.s32 @!p0 $0x1BF5;
	p2 =	por !p2, p0  }
0x20: {  	[sflag:s8] =	ssyncset.s32 @!p0 $0xFFFFF086;
	s6 =	sadd.s32 @!p0 s3, s7;
	s7 =	simm.s32 @!p0 $0x108  }
0x21: {  	s3 =	sadd.s32 s3, s9;
	s6 =	sadd.s32 @!p0 $0x88, s6;
	s7 =	simm.s32 @p2 $0x1082  }
0x22: {  	[simem:s7], [sflag:s8] =	dma.local @!p0 [hbm:s6], $0xF7A  }
0x23: {  	s9 =	sor.u32 $0xD0000000, s2;
	s6 =	simm.s32 $0x108;
	_ =	swait.ge @!p0 [sflag:s8], $0x0  }
0x24: {  	s3 =	sadd.s32 $0x88, s3;
	s6 =	simm.s32 @!p1 $0x1082;
	[sflag:s4] =	ssyncset.s32 $0xFFFFF086  }
0x25: {  	[simem:s6], [sflag:s4] =	dma.local [hbm:s3], $0xF7A  }
0x26: {  	[smem:$0x3F9E] =	sst s1;
	(tag) =	ssettag s2;
	_ =	strace s9  }
0x27: {  	s1 =	sld [smem:$0x3FAE]  }
0x28: {  	s2 =	sld [smem:$0x3FAF]  }
0x29: {  	s4 =	sld [smem:$0x3FB1]  }
0x2a: {  	p0 =	seq.s32 s5, $0x0;
	s5 =	sld [smem:$0x3FB2]  }
0x2b: {  	s6 =	sld [smem:$0x3FB3]  }
0x2c: {  	s7 =	sld [smem:$0x3FB4]  }
0x2d: {  	s3 =	simm.s32 $0x108;
	s8 =	sld [smem:$0x3FB5]  }
0x2e: {  	s3 =	simm.s32 @!p0 $0x1082;
	s9 =	sld [smem:$0x3FB6]  }
0x2f: {  	lr =	sadd.s32 s0, s3;
	s0 =	sld [smem:$0x3FAD]  }
0x30: {  	s3 =	sld [smem:$0x3FB0]  }
0x31: {  	[smem:$0x3FB9] =	sst s10  }
0x32: {  	s10 =	sld [smem:$0x3FB7];
	_ =	sdelay $0x3  }
0x33: {  	p0 =	seq.s32 s10, $0x1;
	s10 =	sld [smem:$0x3FB9];
	_ =	sdelay $0x3  }
0x34: {  	[smem:$0x3FB9] =	sst s10  }
0x35: {  	s10 =	sld [smem:$0x3FB8];
	_ =	sdelay $0x3  }
0x36: {  	p1 =	seq.s32 s10, $0x1;
	s10 =	sld [smem:$0x3FB9];
	_ =	sdelay $0x3  }
0x37: {  	[smem:$0x3FB9] =	sst s10  }
0x38: {  	s10 =	sld [smem:$0x3FBA]  }
0x39: {  	_ = 	snop;
	(pc) =	sbr.ind lr, $3  }
0x3a: {  	_ = 	snop  }
0x3b: {  	_ = 	snop  }
0x3c: {  	p2 =	seq.s32 s10, $0x1;
	s10 =	sld [smem:$0x3FB9]  }
0x3d: {  	_ =	shalt  }
0x3e: {  	_ =	shalt  }
0x3f: {  	_ =	shalt  }
0x40: {  	_ =	shalt  }
0x41: {  	_ =	shalt  }
0x42: {  	_ =	shalt  }
0x43: {  	_ =	shalt  }
0x44: {  	_ =	shalt  }
0x45: {  	_ =	shalt  }
0x46: {  	_ =	shalt  }
0x47: {  	_ =	shalt  }
0x48: {  	_ =	shalt  }
0x49: {  	_ =	shalt  }
0x4a: {  	_ =	shalt  }
0x4b: {  	_ =	shalt  }
0x4c: {  	_ =	shalt  }
0x4d: {  	_ =	shalt  }
0x4e: {  	_ =	shalt  }
0x4f: {  	_ =	shalt  }
0x50: {  	_ =	shalt  }
0x51: {  	_ =	shalt  }
0x52: {  	_ =	shalt  }
0x53: {  	_ =	shalt  }
0x54: {  	_ =	shalt  }
0x55: {  	_ =	shalt  }
0x56: {  	_ =	shalt  }
0x57: {  	_ =	shalt  }
0x58: {  	_ =	shalt  }
0x59: {  	_ =	shalt  }
0x5a: {  	_ =	shalt  }
0x5b: {  	_ =	shalt  }
0x5c: {  	_ =	shalt  }
0x5d: {  	_ =	shalt  }
0x5e: {  	_ =	shalt  }
0x5f: {  	_ =	shalt  }
0x60: {  	_ =	shalt  }
0x61: {  	_ =	shalt  }
0x62: {  	_ =	shalt  }
0x63: {  	_ =	shalt  }
0x64: {  	_ =	shalt  }
0x65: {  	_ =	shalt  }
0x66: {  	_ =	shalt  }
0x67: {  	_ =	shalt  }
0x68: {  	_ =	shalt  }
0x69: {  	_ =	shalt  }
0x6a: {  	_ =	shalt  }
0x6b: {  	_ =	shalt  }
0x6c: {  	_ =	shalt  }
0x6d: {  	_ =	shalt  }
0x6e: {  	_ =	shalt  }
0x6f: {  	_ =	shalt  }
0x70: {  	_ =	shalt  }
0x71: {  	_ =	shalt  }
0x72: {  	_ =	shalt  }
0x73: {  	_ =	shalt  }
0x74: {  	_ =	shalt  }
0x75: {  	_ =	shalt  }
0x76: {  	_ =	shalt  }
0x77: {  	_ =	shalt  }
0x78: {  	_ =	shalt  }
0x79: {  	_ =	shalt  }
0x7a: {  	_ =	shalt  }
0x7b: {  	_ =	shalt  }
0x7c: {  	_ =	shalt  }
0x7d: {  	_ =	shalt  }
0x7e: {  	_ =	shalt  }
0x7f: {  	_ =	shalt  }
0x80: {  	_ =	shalt  }
0x81: {  	_ =	shalt  }
0x82: {  	_ =	shalt  }
0x83: {  	_ =	shalt  }
0x84: {  	_ =	shalt  }
0x85: {  	_ =	shalt  }
0x86: {  	_ =	shalt  }
0x87: {  	_ =	shalt  }
.Lfunc_end0:
.L_simem_size_0:
called_computation_lowered:
.L_overlay_start_0:
0x88: {  	s2 =	sld [smem:$0x3FD9]  }
0x89: {  	s3 =	sld [smem:$0x3FFE];
	_ =	sdelay $0x1  }
0x8a: {  	s1 =	srdreg.scid  }
0x8b: {  	s0 =	sand.u32 $0x1, s1  }
0x8c: {  	s17 =	sshll.u32 s0, $0xA;
	s2 =	sadd.s32 s3, s2  }
0x8d: {  	s2 =	sadd.s32 s2, s17  }
0x8e: {  	[smem:$0x3FC5] =	sst s2  }
0x8f: {  	_ = 	snop  }
0x90: {  	s2 =	sld [smem:$0x3FC9]  }
0x91: {  	s18 =	sld [smem:$0x3FC8];
	(tm) =	ssettm $0x1  }
0x92: {  	s4 =	sld [smem:$0x3FFB];
	_ =	sdelay $0x3  }
0x93: {  	_ =	strace s4  }
0x94: {  	s4 =	sld [smem:$0x3FFC];
	_ =	sdelay $0x3  }
0x95: {  	_ =	strace s4  }
0x96: {  	s4 =	sld [smem:$0x3FFD];
	_ =	sdelay $0x3  }
0x97: {  	_ =	strace s4  }
0x98: {  	_ =	strace $0x8FFFFFFF  }
0x99: {  	s19 =	sld [smem:$0x3FDB];
	_ =	sdelay $0x1  }
0x9a: {  	s5 =	simm.s32 $_scs_section_size  }
0x9b: {  	s6 =	simm.s32 $_size__tile_overlayer_lowered;
	s7 =	simm.s32 $_tile_overlayer_lowered  }
0x9c: {  	s22 =	simm.s32 $0x1BFF;
	s21 =	sshll.u32 s7, $0x1;
	s4 =	sadd.s32 s5, s19  }
0x9d: {  	s8 =	simm.s32 $0x0;
	s20 =	sshll.u32 s6, $0x1;
	s6 =	sadd.s32 s21, s4  }
0x9e: {  	[timem:s8], [sflag:s22] =	dma.local [hbm:s6], s20  }
0x9f: {  	_ =	swait.ge [sflag:s22], s20  }
0xa0: {  	s5 =	ssub.s32 $0x0, s20;
	[sflag:s22] =	ssyncset.done $0x0  }
0xa1: {  	[sflag:s22] =	ssyncadd.s32 s5;
	_ =	sdelay $0x1  }
0xa2: {  	s23 =	simm.s32 $0x1B8B  }
0xa3: {  	_ =	swait.ge [sflag:s23], $0x1  }
0xa4: {  	[sflag:s23] =	ssyncset.done $0x0  }
0xa5: {  	s25 =	simm.s32 $0x1B8E;
	s24 =	sld [smem:$0x3FFE];
	[sflag:s23] =	ssyncadd.s32 $0xFFFFFFFF  }
0xa6: {  	s26 =	simm.s32 $execute0_lowered;
	[smem:$0x3FD2] =	sst s25  }
0xa7: {  	s6 =	sshll.u32 s26, $0x1;
	_ =	strace $0x80000046;
	[dreg:$0x1] =	wrdreg $0xFFFFFFFF  }
0xa8: {  	s28 =	simm.s32 $_size_execute0_lowered;
	s4 =	sadd.s32 s4, s6;
	[dreg:$0x0] =	wrdreg $0x0  }
0xa9: {  	s6 =	sshll.u32 s28, $0x1;
	[dreg:$0x2] =	wrdreg s4  }
0xaa: {  	[dreg:$0x3] =	wrdreg s6  }
0xab: {  	[dreg:$0x4] =	wrdreg $0xC0  }
0xac: {  	_ =	task [dreg:s8], $0x5FFFF  }
0xad: {  	[dreg:$0x1] =	wrdreg $0xFFFFFFFF  }
0xae: {  	[dreg:$0x0] =	wrdreg $0x60  }
0xaf: {  	[dreg:$0x2] =	wrdreg s2  }
0xb0: {  	[dreg:$0x3] =	wrdreg s18  }
0xb1: {  	[dreg:$0x4] =	wrdreg s24  }
0xb2: {  	[dreg:$0x5] =	wrdreg $0x6A000  }
0xb3: {  	[dreg:$0x6] =	wrdreg $0x9  }
0xb4: {  	_ =	task.clear_ibuf [dreg:s8], $0x7FFFF;
	_ =	strace $0x90000046  }
0xb5: {  	s29 =	simm.s32 $0x9;
	_ =	strace $0x80000048  }
0xb6: {  	_ =	swait.ge [sflag:s29], $0x1  }
0xb7: {  	[sflag:s29] =	ssyncadd.s32 $0xFFFFFFFF  }
0xb8: {  	_ =	strace $0x90000048  }
0xb9: {  	_ =	sfence  }
0xba: {  	s30 =	sld [smem:$0x0];
	_ =	sdelay $0x2  }
0xbb: {  	s31 =	sshll.u32 s1, $0xD;
	s1 =	sshrl.u32 s1, $0x2  }
0xbc: {  	s3 =	sand.u32 $0x4000, s31;
	s1 =	sadd.s32 s1, s30  }
0xbd: {  	s0 =	sor.u32 s3, s0;
	s1 =	sshll.u32 s1, $0x11  }
0xbe: {  	s0 =	sor.u32 s1, s0  }
0xbf: {  	s0 =	sadd.s32 $0x8F2B, s0  }
0xc0: {  	[sflag:s0] =	ssyncadd.remote.s32 $0x1  }
0xc1: {  	_ =	sfence.sel $0xFFFF  }
0xc2: {  	[dreg:$0x0] =	wrdreg $0xFFFFFFFF;
	(pc) =	sbr.abs _section_cstart, $3  }
0xc3: {  	[dreg:$0x1] =	wrdreg $0xFFFFFFFF  }
0xc4: {  	_ =	task.clear_ibuf [dreg:s8], $0x2FFFF;
	_ =	strace $0x9FFFFFFF  }
0xc5: {  	(tm) =	ssettm $0x7FFFFFFF  }
tec
execute0_lowered:
.L_overlay_start_1:
0x0: {  	(tag) =	ssettag $0x1  }
0x1: {  	s1 =	rddreg [dreg:$0x0]  }
0x2: {  	s2 =	rddreg [dreg:$0x1]  }
0x3: {  	s0 =	rddreg [dreg:$0x2]  }
0x4: {  	s3 =	rddreg [dreg:$0x3];
	s4 =	srdreg.scid  }
0x5: {  	s7 =	stileid.u32;
	s15 =	simm.s32 $0x3;
	s16 =	simm.s32 $0x4100  }
0x6: {  	s17 =	simm.s32 $0x200;
	s18 =	simm.s32 $0x400;
	s19 =	simm.s32 $0x2000  }
0x7: {  	s20 =	simm.s32 $0x1;
	s21 =	simm.s32 $0x2;
	s23 =	simm.s32 $0x4180  }
0x8: {  	s26 =	simm.s32 $0x0;
	s6 =	sand.u32 $0x1, s4;
	s4 =	simm.s32 $0x0  }
0x9: {  	s9 =	sshrl.u32 s7, $0x2;
	s22 =	sand.u32 $0x3, s7;
	s5 =	sshll.u32 s6, $0x2  }
0xa: {  	[smem:$0x7FF] =	sst s4;
	s8 =	sshll.u32 s22, $0xE;
	s6 =	ssub.s32 $0x2, s6  }
0xb: {  	s30 =	sshll.u32 s9, $0x7;
	s31 =	sshll.u32 s22, $0xD;
	p1 =	sne.s32 s22, $0x0  }
0xc: {  	s22 =	simm.s32 $0x80;
	s14 =	sor.u32 s9, s5;
	_ =	strace $0x80000047  }
0xd: {  	s5 =	sadd.s32 $0x600, s0;
	s29 =	sshrl.u32 s6, $0x1;
	s28 =	smin.u32 s14, $0x5  }
0xe: {  	s10 =	sshll.u32 s14, $0x4;
	s13 =	ssub.s32 s6, s29;
	s6 =	sadd.s32 $0x40, s1  }
.Ltmp0:
0xf: {  	p0 =	slt.u32 s14, $0x6;
	s7 =	sshll.u32 s28, $0x14;
	(pc) =	sbr.rel .LBB2_1-.Ltmp0, $4  }
0x10: {  	s14 =	simm.s32 $0x4000;
	s0 =	sadd.s32 s10, s0;
	s11 =	sor.u32 s8, s7  }
0x11: {  	s10 =	sadd.s32 s30, s3;
	s13 =	smax.u32 s13, $0x1;
	s8 =	sadd.s32 $0x1A00000, s11  }
0x12: {  	s12 =	sadd.s32 $0x800, s0;
	s9 =	sadd.s32 $0x1A10000, s11;
	s8 =	sshrl.u32 s8, $0x3  }
0x13: {  	v0 =	vimm.f32 $0.0e+00;
	s11 =	sadd.s32 s31, s10;
	s7 =	sadd.s32 s1, s8;
	s8 =	sadd.s32 s8, s6  }
.LBB2_25:
0x14: {  	[bflag:$0x0] =	sbarrier.arrive $0xFFFF  }
.LBB2_23:
0x15: {  	s26 =	sadd.s32 $0x1, s26  }
0x16: {  	p2 =	sne.s32 s26, s13  }
.Ltmp1:
0x17: {  	_ = 	snop;
	(pc) =	sbr.rel @!p2 .LBB2_24-.Ltmp1, $1  }
0x18: {  	_ =	sdelay $0x3  }
.LBB2_1:
0x19: {  	[tilespmem:s14], [sflag:$0x3] =	stream.linear.gather [hbm4b:s2+s4], $0x80, $0x38;
	[tilespmem:$0x7200] =	vst v63  }
0x1a: {  	_ =	swait.ge [sflag:s15], $0x80  }
0x1b: {  	[sflag:s15] =	ssyncset.done $0x0  }
.Ltmp2:
0x1c: {  	[sflag:s15] =	ssyncadd.s32 $0xFFFFFF80;
	(pc) =	sbr.rel @!p0 .LBB2_25-.Ltmp2, $4  }
0x1d: {  	[tilespmem:s16], [sflag:$0x3] =	stream.linear.gather [hbm4b:s5+s4], $0x80, $0x38;
	[tilespmem:$0x7200] =	vst v63  }
0x1e: {  	_ =	swait.ge [sflag:s15], $0x80  }
0x1f: {  	[sflag:s15] =	ssyncset.done $0x0  }
0x20: {  	[sflag:s15] =	ssyncadd.s32 $0xFFFFFF80  }
0x21: {  	v1 =	vld [tilespmem:$0x4100];
	s0 =	simm.s32 $0x0;
	s3 =	simm.s32 $0x200  }
.LBB2_3:
0x22: {  	p2 =	sne.s32 s3, $0x1E00;
	[tilespmem:s0+$0x41F0] =	vst v0  }
0x23: {  	[tilespmem:s0+$0x4180] =	vst v0  }
0x24: {  	[tilespmem:s0+$0x4190] =	vst v0  }
.Ltmp3:
0x25: {  	[tilespmem:s0+$0x41A0] =	vst v0;
	(pc) =	sbr.rel @p2 .LBB2_3-.Ltmp3, $4  }
0x26: {  	[tilespmem:s0+$0x41B0] =	vst v0  }
0x27: {  	[tilespmem:s0+$0x41C0] =	vst v0  }
0x28: {  	[tilespmem:s0+$0x41D0] =	vst v0  }
0x29: {  	[tilespmem:s0+$0x41E0] =	vst v0;
	s0 =	sshra.s32 s3, $0x2;
	s3 =	sadd.s32 $0x200, s3  }
0x2a: {  	[tilespmem:s0+$0x41F0] =	vst v0  }
0x2b: {  	[tilespmem:s0+$0x4180] =	vst v0  }
0x2c: {  	[tilespmem:s0+$0x4190] =	vst v0  }
0x2d: {  	[tilespmem:s0+$0x41A0] =	vst v0  }
0x2e: {  	[tilespmem:s0+$0x41B0] =	vst v0  }
0x2f: {  	[tilespmem:s0+$0x41C0] =	vst v0  }
0x30: {  	[tilespmem:s0+$0x41D0] =	vst v0  }
0x31: {  	[tilespmem:s0+$0x41E0] =	vst v0;
	s28 =	simm.s32 $0x0  }
0x32: {  	[tilespmem:s28], [sflag:$0x1] =	stream.strided.gather [hbm4b:s7+s17], $0x2000, s18, s17, $0x38;
	[tilespmem:$0x7200] =	vst v63  }
0x33: {  	_ = 	snop  }
0x34: {  	[tilespmem:s19], [sflag:$0x2] =	stream.strided.gather [hbm4b:s8+s17], $0x2000, s18, s17, $0x38;
	[tilespmem:$0x7200] =	vst v63  }
.LBB2_5:
0x35: {  	s0 =	sshll.u32 s28, $0x3  }
0x36: {  	s0 =	sand.u32 $0x3FFFFFF8, s0  }
0x37: {  	v2 =	vld [tilespmem:s0+$0x4000];
	_ =	swait.ge [sflag:s20], $0x2000  }
0x38: {  	[sflag:s20] =	ssyncset.done $0x0  }
0x39: {  	s30 =	simm.s32 $0x100;
	[sflag:s20] =	ssyncadd.s32 $0xFFFFE000  }
0x3a: {  	v7 =	vld [tilespmem:s30+$0xFFFFFF00]  }
0x3b: {  	v8 =	vld [tilespmem:s30+$0xFFFFFF80]  }
0x3c: {  	v9 =	vld [tilespmem:s30+$0x0]  }
0x3d: {  	v10 =	vld [tilespmem:s30+$0x80];
	_ =	sdelay $0x1  }
0x3e: {  	v6 =	vbroadcast v2, $0x0;
	v5 =	vbroadcast v2, $0x1  }
0x3f: {  	v3 =	vbroadcast v2, $0x2;
	v4 =	vbroadcast v2, $0x3  }
0x40: {  	v7 =	vmul.f32 v7, v6;
	v8 =	vmul.f32 v8, v5  }
0x41: {  	v9 =	vmul.f32 v9, v3;
	v10 =	vmul.f32 v10, v4;
	_ =	sdelay $0x1  }
0x42: {  	v7 =	vadd.f32 v8, v7;
	v8 =	vadd.f32 v10, v9;
	_ =	sdelay $0x1  }
0x43: {  	v7 =	vadd.f32 v8, v7  }
0x44: {  	s29 =	simm.s32 $0x0  }
0x45: {  	[tilespmem:s29+$0x4180] =	vst.add.f32.msk $0xffff, v7  }
0x46: {  	v7 =	vld [tilespmem:s30+$0xFFFFFF10]  }
0x47: {  	v8 =	vld [tilespmem:s30+$0xFFFFFF90]  }
0x48: {  	v9 =	vld [tilespmem:s30+$0x10]  }
0x49: {  	v10 =	vld [tilespmem:s30+$0x90];
	_ =	sdelay $0x3  }
0x4a: {  	v7 =	vmul.f32 v7, v6;
	v8 =	vmul.f32 v8, v5  }
0x4b: {  	v9 =	vmul.f32 v9, v3;
	v10 =	vmul.f32 v10, v4;
	_ =	sdelay $0x1  }
0x4c: {  	v7 =	vadd.f32 v8, v7;
	v8 =	vadd.f32 v10, v9;
	_ =	sdelay $0x1  }
0x4d: {  	v7 =	vadd.f32 v8, v7;
	_ =	sdelay $0x1  }
0x4e: {  	[tilespmem:s29+$0x4190] =	vst.add.f32.msk $0xffff, v7  }
0x4f: {  	v7 =	vld [tilespmem:s30+$0xFFFFFF20]  }
0x50: {  	v8 =	vld [tilespmem:s30+$0xFFFFFFA0]  }
0x51: {  	v9 =	vld [tilespmem:s30+$0x20]  }
0x52: {  	v10 =	vld [tilespmem:s30+$0xA0];
	_ =	sdelay $0x3  }
0x53: {  	v7 =	vmul.f32 v7, v6;
	v8 =	vmul.f32 v8, v5  }
0x54: {  	v9 =	vmul.f32 v9, v3;
	v10 =	vmul.f32 v10, v4  }
0x55: {  	s0 =	simm.s32 $0x300  }
0x56: {  	v11 =	vld [tilespmem:s0+$0xFFFFFF00];
	v7 =	vadd.f32 v8, v7;
	v8 =	vadd.f32 v10, v9  }
0x57: {  	v9 =	vld [tilespmem:s0+$0xFFFFFF80]  }
0x58: {  	v10 =	vld [tilespmem:s0+$0x0];
	v7 =	vadd.f32 v8, v7  }
0x59: {  	v8 =	vld [tilespmem:s0+$0x80]  }
0x5a: {  	[tilespmem:s29+$0x41A0] =	vst.add.f32.msk $0xffff, v7  }
0x5b: {  	v7 =	vld [tilespmem:s30+$0xFFFFFF30]  }
0x5c: {  	v12 =	vld [tilespmem:s30+$0xFFFFFFB0]  }
0x5d: {  	v11 =	vmul.f32 v11, v6;
	v9 =	vmul.f32 v9, v5;
	v13 =	vld [tilespmem:s30+$0x30]  }
0x5e: {  	v10 =	vmul.f32 v10, v3;
	v14 =	vld [tilespmem:s30+$0xB0];
	v8 =	vmul.f32 v8, v4;
	_ =	sdelay $0x1  }
0x5f: {  	v9 =	vadd.f32 v9, v11;
	v8 =	vadd.f32 v8, v10;
	_ =	sdelay $0x1  }
0x60: {  	v7 =	vmul.f32 v7, v6;
	v10 =	vmul.f32 v13, v3;
	v8 =	vadd.f32 v8, v9  }
0x61: {  	s31 =	simm.s32 $0x80;
	v11 =	vmul.f32 v14, v4;
	v9 =	vmul.f32 v12, v5  }
0x62: {  	[tilespmem:s31+$0x4180] =	vst.add.f32.msk $0xffff, v8  }
0x63: {  	v7 =	vadd.f32 v9, v7;
	v9 =	vadd.f32 v11, v10;
	v8 =	vld [tilespmem:s0+$0xFFFFFF10]  }
0x64: {  	v10 =	vld [tilespmem:s0+$0xFFFFFF90]  }
0x65: {  	v11 =	vld [tilespmem:s0+$0x10];
	v7 =	vadd.f32 v9, v7  }
0x66: {  	v9 =	vld [tilespmem:s0+$0x90]  }
0x67: {  	[tilespmem:s29+$0x41B0] =	vst.add.f32.msk $0xffff, v7  }
0x68: {  	v7 =	vld [tilespmem:s30+$0xFFFFFF40]  }
0x69: {  	v12 =	vld [tilespmem:s30+$0xFFFFFFC0]  }
0x6a: {  	v13 =	vld [tilespmem:s30+$0x40];
	v8 =	vmul.f32 v8, v6;
	v10 =	vmul.f32 v10, v5  }
0x6b: {  	v14 =	vld [tilespmem:s30+$0xC0];
	v11 =	vmul.f32 v11, v3;
	v9 =	vmul.f32 v9, v4;
	_ =	sdelay $0x1  }
0x6c: {  	v8 =	vadd.f32 v10, v8;
	v9 =	vadd.f32 v9, v11;
	_ =	sdelay $0x1  }
0x6d: {  	v7 =	vmul.f32 v7, v6;
	v10 =	vmul.f32 v13, v3;
	v8 =	vadd.f32 v9, v8  }
0x6e: {  	v11 =	vmul.f32 v14, v4;
	v9 =	vmul.f32 v12, v5  }
0x6f: {  	[tilespmem:s31+$0x4190] =	vst.add.f32.msk $0xffff, v8  }
0x70: {  	v7 =	vadd.f32 v9, v7;
	v9 =	vadd.f32 v11, v10;
	v8 =	vld [tilespmem:s0+$0xFFFFFF20]  }
0x71: {  	v10 =	vld [tilespmem:s0+$0xFFFFFFA0]  }
0x72: {  	v11 =	vld [tilespmem:s0+$0x20];
	v7 =	vadd.f32 v9, v7  }
0x73: {  	v9 =	vld [tilespmem:s0+$0xA0]  }
0x74: {  	[tilespmem:s29+$0x41C0] =	vst.add.f32.msk $0xffff, v7  }
0x75: {  	v7 =	vld [tilespmem:s30+$0xFFFFFF50]  }
0x76: {  	v12 =	vld [tilespmem:s30+$0xFFFFFFD0]  }
0x77: {  	v13 =	vld [tilespmem:s30+$0x50];
	v8 =	vmul.f32 v8, v6;
	v10 =	vmul.f32 v10, v5  }
0x78: {  	v14 =	vld [tilespmem:s30+$0xD0];
	v11 =	vmul.f32 v11, v3;
	v9 =	vmul.f32 v9, v4  }
0x79: {  	s3 =	simm.s32 $0x500  }
0x7a: {  	v15 =	vld [tilespmem:s3+$0xFFFFFF00];
	v8 =	vadd.f32 v10, v8;
	v9 =	vadd.f32 v9, v11  }
0x7b: {  	v10 =	vld [tilespmem:s3+$0xFFFFFF80]  }
0x7c: {  	v11 =	vld [tilespmem:s3+$0x0];
	v7 =	vmul.f32 v7, v6;
	v13 =	vmul.f32 v13, v3;
	v8 =	vadd.f32 v9, v8  }
0x7d: {  	v14 =	vmul.f32 v14, v4;
	v9 =	vmul.f32 v12, v5;
	v12 =	vld [tilespmem:s3+$0x80]  }
0x7e: {  	[tilespmem:s31+$0x41A0] =	vst.add.f32.msk $0xffff, v8  }
0x7f: {  	v7 =	vadd.f32 v9, v7;
	v9 =	vadd.f32 v14, v13;
	v8 =	vld [tilespmem:s0+$0xFFFFFF30]  }
0x80: {  	v13 =	vld [tilespmem:s0+$0xFFFFFFB0]  }
0x81: {  	v14 =	vmul.f32 v15, v6;
	v10 =	vmul.f32 v10, v5;
	v15 =	vld [tilespmem:s0+$0x30];
	v7 =	vadd.f32 v9, v7  }
0x82: {  	v9 =	vmul.f32 v11, v3;
	v11 =	vmul.f32 v12, v4;
	v12 =	vld [tilespmem:s0+$0xB0]  }
0x83: {  	[tilespmem:s29+$0x41D0] =	vst.add.f32.msk $0xffff, v7  }
0x84: {  	v7 =	vadd.f32 v10, v14;
	v9 =	vadd.f32 v11, v9;
	v10 =	vld [tilespmem:s30+$0xFFFFFF60]  }
0x85: {  	v11 =	vld [tilespmem:s30+$0xFFFFFFE0]  }
0x86: {  	v8 =	vmul.f32 v8, v6;
	v14 =	vmul.f32 v15, v3;
	v15 =	vld [tilespmem:s30+$0xE0];
	v7 =	vadd.f32 v9, v7  }
0x87: {  	s24 =	simm.s32 $0x100;
	v9 =	vmul.f32 v13, v5;
	v13 =	vld [tilespmem:s30+$0x60];
	v12 =	vmul.f32 v12, v4  }
0x88: {  	[tilespmem:s24+$0x4180] =	vst.add.f32.msk $0xffff, v7  }
0x89: {  	v7 =	vadd.f32 v9, v8;
	v16 =	vld [tilespmem:s3+$0xFFFFFF10];
	v8 =	vadd.f32 v12, v14  }
0x8a: {  	v12 =	vld [tilespmem:s3+$0xFFFFFF90]  }
0x8b: {  	v14 =	vld [tilespmem:s3+$0x10];
	v9 =	vmul.f32 v11, v5;
	v11 =	vmul.f32 v15, v4;
	v7 =	vadd.f32 v8, v7  }
0x8c: {  	v17 =	vld [tilespmem:s3+$0x90];
	v8 =	vmul.f32 v10, v6;
	v10 =	vmul.f32 v13, v3  }
0x8d: {  	[tilespmem:s31+$0x41B0] =	vst.add.f32.msk $0xffff, v7  }
0x8e: {  	v13 =	vadd.f32 v9, v8;
	v10 =	vadd.f32 v11, v10;
	v7 =	vld [tilespmem:s0+$0xFFFFFF40]  }
0x8f: {  	v8 =	vld [tilespmem:s0+$0xFFFFFFC0]  }
0x90: {  	v9 =	vld [tilespmem:s0+$0x40];
	v11 =	vmul.f32 v16, v6;
	v12 =	vmul.f32 v12, v5;
	v15 =	vadd.f32 v10, v13  }
0x91: {  	v10 =	vld [tilespmem:s0+$0xC0];
	v13 =	vmul.f32 v14, v3;
	v14 =	vmul.f32 v17, v4  }
0x92: {  	s25 =	simm.s32 $0x600;
	[tilespmem:s29+$0x41E0] =	vst.add.f32.msk $0xffff, v15  }
.LBB2_6:
0x93: {  	p2 =	sne.s32 s25, $0x1E00;
	v11 =	vadd.f32 v12, v11;
	v12 =	vadd.f32 v14, v13;
	v13 =	vld [tilespmem:s30+$0xFFFFFF70]  }
0x94: {  	v14 =	vld [tilespmem:s30+$0xFFFFFFF0]  }
0x95: {  	v7 =	vmul.f32 v7, v6;
	v8 =	vmul.f32 v8, v5;
	v11 =	vadd.f32 v12, v11;
	v12 =	vld [tilespmem:s30+$0x70]  }
0x96: {  	v9 =	vmul.f32 v9, v3;
	v10 =	vmul.f32 v10, v4;
	v15 =	vld [tilespmem:s30+$0xF0];
	s30 =	smov.u32 s0;
	s0 =	smov.u32 s3  }
0x97: {  	[tilespmem:s24+$0x4190] =	vst.add.f32.msk $0xffff, v11  }
0x98: {  	v7 =	vadd.f32 v8, v7;
	v11 =	vld [tilespmem:s3+$0xFFFFFF20];
	v8 =	vadd.f32 v10, v9  }
0x99: {  	v9 =	vld [tilespmem:s3+$0xFFFFFFA0]  }
0x9a: {  	v10 =	vld [tilespmem:s3+$0x20];
	v7 =	vadd.f32 v8, v7;
	v8 =	vmul.f32 v13, v6;
	v13 =	vmul.f32 v14, v5  }
0x9b: {  	v12 =	vmul.f32 v12, v3;
	v14 =	vld [tilespmem:s3+$0xA0];
	v15 =	vmul.f32 v15, v4  }
0x9c: {  	[tilespmem:s31+$0x41C0] =	vst.add.f32.msk $0xffff, v7  }
0x9d: {  	v8 =	vadd.f32 v13, v8;
	v7 =	vld [tilespmem:s30+$0xFFFFFF50];
	v12 =	vadd.f32 v15, v12  }
0x9e: {  	v13 =	vld [tilespmem:s30+$0xFFFFFFD0]  }
0x9f: {  	v11 =	vmul.f32 v11, v6;
	v9 =	vmul.f32 v9, v5;
	v15 =	vld [tilespmem:s30+$0x50];
	v8 =	vadd.f32 v12, v8  }
0xa0: {  	v10 =	vmul.f32 v10, v3;
	v12 =	vmul.f32 v14, v4;
	v14 =	vld [tilespmem:s30+$0xD0]  }
0xa1: {  	s3 =	sadd.s32 $0x200, s3;
	[tilespmem:s29+$0x41F0] =	vst.add.f32.msk $0xffff, v8;
	s29 =	smov.u32 s31;
	s31 =	smov.u32 s24  }
0xa2: {  	v9 =	vadd.f32 v9, v11;
	v8 =	vld [tilespmem:s3+$0xFFFFFF00];
	v10 =	vadd.f32 v12, v10  }
0xa3: {  	v11 =	vld [tilespmem:s3+$0xFFFFFF80]  }
0xa4: {  	v7 =	vmul.f32 v7, v6;
	v12 =	vld [tilespmem:s3+$0x0];
	v9 =	vadd.f32 v10, v9;
	v10 =	vmul.f32 v13, v5  }
0xa5: {  	v15 =	vmul.f32 v15, v3;
	v13 =	vld [tilespmem:s3+$0x80];
	v14 =	vmul.f32 v14, v4  }
0xa6: {  	[tilespmem:s31+$0x41A0] =	vst.add.f32.msk $0xffff, v9  }
0xa7: {  	v7 =	vadd.f32 v10, v7;
	v9 =	vld [tilespmem:s0+$0xFFFFFF30];
	v10 =	vadd.f32 v14, v15  }
0xa8: {  	v14 =	vld [tilespmem:s0+$0xFFFFFFB0]  }
0xa9: {  	v8 =	vmul.f32 v8, v6;
	v11 =	vmul.f32 v11, v5;
	v15 =	vld [tilespmem:s0+$0x30];
	v7 =	vadd.f32 v10, v7  }
0xaa: {  	v10 =	vmul.f32 v12, v3;
	v12 =	vmul.f32 v13, v4;
	v13 =	vld [tilespmem:s0+$0xB0]  }
0xab: {  	[tilespmem:s29+$0x41D0] =	vst.add.f32.msk $0xffff, v7  }
0xac: {  	v7 =	vadd.f32 v11, v8;
	v8 =	vadd.f32 v12, v10;
	v10 =	vld [tilespmem:s30+$0xFFFFFF60]  }
0xad: {  	v11 =	vld [tilespmem:s30+$0xFFFFFFE0]  }
0xae: {  	v7 =	vadd.f32 v8, v7;
	v8 =	vmul.f32 v9, v6;
	v9 =	vmul.f32 v14, v5;
	v12 =	vld [tilespmem:s30+$0x60]  }
0xaf: {  	s24 =	sshra.s32 s25, $0x2;
	v14 =	vmul.f32 v15, v3;
	v13 =	vmul.f32 v13, v4;
	v15 =	vld [tilespmem:s30+$0xE0]  }
0xb0: {  	[tilespmem:s24+$0x4180] =	vst.add.f32.msk $0xffff, v7  }
0xb1: {  	v7 =	vadd.f32 v9, v8;
	v16 =	vld [tilespmem:s3+$0xFFFFFF10];
	v8 =	vadd.f32 v13, v14  }
0xb2: {  	v9 =	vld [tilespmem:s3+$0xFFFFFF90]  }
0xb3: {  	v13 =	vld [tilespmem:s3+$0x10];
	v7 =	vadd.f32 v8, v7;
	v8 =	vmul.f32 v10, v6;
	v10 =	vmul.f32 v11, v5  }
0xb4: {  	v11 =	vmul.f32 v12, v3;
	v14 =	vld [tilespmem:s3+$0x90];
	v12 =	vmul.f32 v15, v4  }
0xb5: {  	[tilespmem:s31+$0x41B0] =	vst.add.f32.msk $0xffff, v7  }
.Ltmp4:
0xb6: {  	v10 =	vadd.f32 v10, v8;
	v7 =	vld [tilespmem:s0+$0xFFFFFF40];
	v15 =	vadd.f32 v12, v11;
	(pc) =	sbr.rel @p2 .LBB2_6-.Ltmp4, $4  }
0xb7: {  	v8 =	vld [tilespmem:s0+$0xFFFFFFC0]  }
0xb8: {  	v11 =	vmul.f32 v16, v6;
	v12 =	vmul.f32 v9, v5;
	v9 =	vld [tilespmem:s0+$0x40];
	v15 =	vadd.f32 v15, v10  }
0xb9: {  	v13 =	vmul.f32 v13, v3;
	v14 =	vmul.f32 v14, v4;
	v10 =	vld [tilespmem:s0+$0xC0]  }
0xba: {  	s25 =	sadd.s32 $0x200, s25;
	[tilespmem:s29+$0x41E0] =	vst.add.f32.msk $0xffff, v15  }
0xbb: {  	v11 =	vadd.f32 v12, v11;
	v12 =	vadd.f32 v14, v13;
	_ =	sdelay $0x1  }
0xbc: {  	v11 =	vadd.f32 v12, v11;
	_ =	sdelay $0x1  }
0xbd: {  	[tilespmem:s24+$0x4190] =	vst.add.f32.msk $0xffff, v11  }
0xbe: {  	v11 =	vld [tilespmem:s3+$0xFFFFFF20]  }
0xbf: {  	v12 =	vld [tilespmem:s3+$0xFFFFFFA0]  }
0xc0: {  	v13 =	vld [tilespmem:s3+$0x20]  }
0xc1: {  	v14 =	vld [tilespmem:s3+$0xA0];
	_ =	sdelay $0x3  }
0xc2: {  	v11 =	vmul.f32 v11, v6;
	v12 =	vmul.f32 v12, v5  }
0xc3: {  	v13 =	vmul.f32 v13, v3;
	v14 =	vmul.f32 v14, v4;
	_ =	sdelay $0x1  }
0xc4: {  	v11 =	vadd.f32 v12, v11;
	v12 =	vadd.f32 v14, v13;
	_ =	sdelay $0x1  }
0xc5: {  	v11 =	vadd.f32 v12, v11;
	_ =	sdelay $0x1  }
0xc6: {  	[tilespmem:s24+$0x41A0] =	vst.add.f32.msk $0xffff, v11  }
0xc7: {  	v11 =	vld [tilespmem:s3+$0xFFFFFF30]  }
0xc8: {  	v12 =	vld [tilespmem:s3+$0xFFFFFFB0]  }
0xc9: {  	v13 =	vld [tilespmem:s3+$0x30]  }
0xca: {  	v14 =	vld [tilespmem:s3+$0xB0];
	_ =	sdelay $0x3  }
0xcb: {  	v11 =	vmul.f32 v11, v6;
	v12 =	vmul.f32 v12, v5  }
0xcc: {  	v13 =	vmul.f32 v13, v3;
	v14 =	vmul.f32 v14, v4;
	_ =	sdelay $0x1  }
0xcd: {  	v11 =	vadd.f32 v12, v11;
	v12 =	vadd.f32 v14, v13;
	_ =	sdelay $0x1  }
0xce: {  	v11 =	vadd.f32 v12, v11;
	_ =	sdelay $0x1  }
0xcf: {  	[tilespmem:s24+$0x41B0] =	vst.add.f32.msk $0xffff, v11  }
0xd0: {  	v11 =	vld [tilespmem:s3+$0xFFFFFF40]  }
0xd1: {  	v12 =	vld [tilespmem:s3+$0xFFFFFFC0]  }
0xd2: {  	v7 =	vmul.f32 v7, v6;
	v8 =	vmul.f32 v8, v5;
	v13 =	vld [tilespmem:s3+$0x40]  }
0xd3: {  	v9 =	vmul.f32 v9, v3;
	v10 =	vmul.f32 v10, v4;
	v14 =	vld [tilespmem:s3+$0xC0];
	_ =	sdelay $0x1  }
0xd4: {  	v7 =	vadd.f32 v8, v7;
	v8 =	vadd.f32 v10, v9;
	_ =	sdelay $0x1  }
0xd5: {  	v7 =	vadd.f32 v8, v7;
	v8 =	vmul.f32 v11, v6;
	v9 =	vmul.f32 v12, v5  }
0xd6: {  	v10 =	vmul.f32 v13, v3;
	v11 =	vmul.f32 v14, v4  }
0xd7: {  	[tilespmem:s31+$0x41C0] =	vst.add.f32.msk $0xffff, v7  }
0xd8: {  	v7 =	vld [tilespmem:s0+$0xFFFFFF50];
	v8 =	vadd.f32 v9, v8;
	v9 =	vadd.f32 v11, v10  }
0xd9: {  	v10 =	vld [tilespmem:s0+$0xFFFFFFD0]  }
0xda: {  	v11 =	vld [tilespmem:s0+$0x50];
	v8 =	vadd.f32 v9, v8  }
0xdb: {  	v9 =	vld [tilespmem:s0+$0xD0]  }
0xdc: {  	[tilespmem:s24+$0x41C0] =	vst.add.f32.msk $0xffff, v8  }
0xdd: {  	v8 =	vld [tilespmem:s3+$0xFFFFFF50]  }
0xde: {  	v12 =	vld [tilespmem:s3+$0xFFFFFFD0]  }
0xdf: {  	v7 =	vmul.f32 v7, v6;
	v10 =	vmul.f32 v10, v5;
	v13 =	vld [tilespmem:s3+$0x50]  }
0xe0: {  	v11 =	vmul.f32 v11, v3;
	v14 =	vld [tilespmem:s3+$0xD0];
	v9 =	vmul.f32 v9, v4;
	_ =	sdelay $0x1  }
0xe1: {  	v7 =	vadd.f32 v10, v7;
	v9 =	vadd.f32 v9, v11;
	_ =	sdelay $0x1  }
0xe2: {  	v8 =	vmul.f32 v8, v6;
	v10 =	vmul.f32 v13, v3;
	v7 =	vadd.f32 v9, v7  }
0xe3: {  	v11 =	vmul.f32 v14, v4;
	v9 =	vmul.f32 v12, v5  }
0xe4: {  	[tilespmem:s31+$0x41D0] =	vst.add.f32.msk $0xffff, v7  }
0xe5: {  	v8 =	vadd.f32 v9, v8;
	v9 =	vadd.f32 v11, v10;
	v7 =	vld [tilespmem:s0+$0xFFFFFF60]  }
0xe6: {  	v10 =	vld [tilespmem:s0+$0xFFFFFFE0]  }
0xe7: {  	v11 =	vld [tilespmem:s0+$0x60];
	v8 =	vadd.f32 v9, v8  }
0xe8: {  	v9 =	vld [tilespmem:s0+$0xE0]  }
0xe9: {  	[tilespmem:s24+$0x41D0] =	vst.add.f32.msk $0xffff, v8  }
0xea: {  	v8 =	vld [tilespmem:s3+$0xFFFFFF60]  }
0xeb: {  	v12 =	vld [tilespmem:s3+$0xFFFFFFE0]  }
0xec: {  	v13 =	vld [tilespmem:s3+$0x60];
	v7 =	vmul.f32 v7, v6;
	v10 =	vmul.f32 v10, v5  }
0xed: {  	v14 =	vld [tilespmem:s3+$0xE0];
	v11 =	vmul.f32 v11, v3;
	v9 =	vmul.f32 v9, v4;
	_ =	sdelay $0x1  }
0xee: {  	v15 =	vld [tilespmem:s30+$0xFFFFFF70];
	v7 =	vadd.f32 v10, v7;
	v9 =	vadd.f32 v9, v11  }
0xef: {  	v10 =	vld [tilespmem:s30+$0xFFFFFFF0]  }
0xf0: {  	v11 =	vld [tilespmem:s30+$0x70];
	v8 =	vmul.f32 v8, v6;
	v13 =	vmul.f32 v13, v3;
	v7 =	vadd.f32 v9, v7  }
0xf1: {  	v14 =	vmul.f32 v14, v4;
	v9 =	vmul.f32 v12, v5;
	v12 =	vld [tilespmem:s30+$0xF0]  }
0xf2: {  	[tilespmem:s31+$0x41E0] =	vst.add.f32.msk $0xffff, v7  }
0xf3: {  	v8 =	vadd.f32 v9, v8;
	v9 =	vadd.f32 v14, v13;
	v7 =	vld [tilespmem:s0+$0xFFFFFF70]  }
0xf4: {  	v13 =	vld [tilespmem:s0+$0xFFFFFFF0]  }
0xf5: {  	v14 =	vld [tilespmem:s0+$0x70];
	v8 =	vadd.f32 v9, v8  }
0xf6: {  	v9 =	vld [tilespmem:s0+$0xF0]  }
0xf7: {  	[tilespmem:s24+$0x41E0] =	vst.add.f32.msk $0xffff, v8  }
0xf8: {  	v8 =	vld [tilespmem:s3+$0xFFFFFF70]  }
0xf9: {  	v16 =	vld [tilespmem:s3+$0xFFFFFFF0]  }
0xfa: {  	v17 =	vld [tilespmem:s3+$0x70]  }
0xfb: {  	v15 =	vmul.f32 v15, v6;
	v10 =	vmul.f32 v10, v5;
	v18 =	vld [tilespmem:s3+$0xF0]  }
0xfc: {  	v11 =	vmul.f32 v11, v3;
	v12 =	vmul.f32 v12, v4  }
0xfd: {  	v10 =	vadd.f32 v10, v15;
	v7 =	vmul.f32 v7, v6;
	v9 =	vmul.f32 v9, v4  }
0xfe: {  	v6 =	vmul.f32 v8, v6;
	v8 =	vadd.f32 v12, v11;
	v11 =	vmul.f32 v13, v5  }
0xff: {  	v12 =	vmul.f32 v14, v3;
	v5 =	vmul.f32 v16, v5  }
0x100: {  	v3 =	vmul.f32 v17, v3;
	v4 =	vmul.f32 v18, v4;
	v8 =	vadd.f32 v8, v10  }
0x101: {  	v7 =	vadd.f32 v11, v7;
	v9 =	vadd.f32 v9, v12  }
0x102: {  	p2 =	seq.s32 s28, $0xF;
	v5 =	vadd.f32 v5, v6;
	v3 =	vadd.f32 v4, v3  }
0x103: {  	s0 =	sshll.u32 @!p2 s28, $0x10;
	v4 =	vadd.f32 v9, v7  }
0x104: {  	s0 =	sadd.s32 @!p2 s0, s9;
	[tilespmem:s29+$0x41F0] =	vst.add.f32.msk $0xffff, v8;
	v3 =	vadd.f32 v3, v5  }
0x105: {  	s25 =	simm.s32 @!p2 $0x0;
	s0 =	sshrl.u32 @!p2 s0, $0x3;
	[tilespmem:s31+$0x41F0] =	vst.add.f32.msk $0xffff, v4  }
0x106: {  	s0 =	sadd.s32 @!p2 s1, s0;
	s3 =	simm.s32 @!p2 $0x200;
	[tilespmem:s24+$0x41F0] =	vst.add.f32.msk $0xffff, v3;
	s24 =	simm.s32 @!p2 $0x400  }
0x107: {  	[tilespmem:s25], [sflag:$0x1] =	stream.strided.gather @!p2 [hbm4b:s0+s3], $0x2000, s24, s3, $0x38;
	[tilespmem:$0x7200] =	vst v63  }
0x108: {  	_ =	swait.ge [sflag:s21], $0x2000  }
0x109: {  	[sflag:s21] =	ssyncset.done $0x0  }
0x10a: {  	s30 =	simm.s32 $0x2100;
	[sflag:s21] =	ssyncadd.s32 $0xFFFFE000  }
0x10b: {  	v6 =	vld [tilespmem:s30+$0xFFFFFF00]  }
0x10c: {  	v7 =	vld [tilespmem:s30+$0xFFFFFF80]  }
0x10d: {  	v8 =	vld [tilespmem:s30+$0x0]  }
0x10e: {  	v9 =	vld [tilespmem:s30+$0x80];
	_ =	sdelay $0x1  }
0x10f: {  	v5 =	vbroadcast v2, $0x4;
	v4 =	vbroadcast v2, $0x5  }
0x110: {  	v3 =	vbroadcast v2, $0x6;
	v2 =	vbroadcast v2, $0x7  }
0x111: {  	v6 =	vmul.f32 v6, v5;
	v7 =	vmul.f32 v7, v4  }
0x112: {  	v8 =	vmul.f32 v8, v3;
	v9 =	vmul.f32 v9, v2;
	_ =	sdelay $0x1  }
0x113: {  	v6 =	vadd.f32 v7, v6;
	v7 =	vadd.f32 v9, v8;
	_ =	sdelay $0x1  }
0x114: {  	v6 =	vadd.f32 v7, v6  }
0x115: {  	s29 =	simm.s32 $0x0  }
0x116: {  	[tilespmem:s29+$0x4180] =	vst.add.f32.msk $0xffff, v6  }
0x117: {  	v6 =	vld [tilespmem:s30+$0xFFFFFF10]  }
0x118: {  	v7 =	vld [tilespmem:s30+$0xFFFFFF90]  }
0x119: {  	v8 =	vld [tilespmem:s30+$0x10]  }
0x11a: {  	v9 =	vld [tilespmem:s30+$0x90];
	_ =	sdelay $0x3  }
0x11b: {  	v6 =	vmul.f32 v6, v5;
	v7 =	vmul.f32 v7, v4  }
0x11c: {  	v8 =	vmul.f32 v8, v3;
	v9 =	vmul.f32 v9, v2;
	_ =	sdelay $0x1  }
0x11d: {  	v6 =	vadd.f32 v7, v6;
	v7 =	vadd.f32 v9, v8;
	_ =	sdelay $0x1  }
0x11e: {  	v6 =	vadd.f32 v7, v6;
	_ =	sdelay $0x1  }
0x11f: {  	[tilespmem:s29+$0x4190] =	vst.add.f32.msk $0xffff, v6  }
0x120: {  	v6 =	vld [tilespmem:s30+$0xFFFFFF20]  }
0x121: {  	v7 =	vld [tilespmem:s30+$0xFFFFFFA0]  }
0x122: {  	v8 =	vld [tilespmem:s30+$0x20]  }
0x123: {  	v9 =	vld [tilespmem:s30+$0xA0];
	_ =	sdelay $0x3  }
0x124: {  	v6 =	vmul.f32 v6, v5;
	v7 =	vmul.f32 v7, v4  }
0x125: {  	v8 =	vmul.f32 v8, v3;
	v9 =	vmul.f32 v9, v2  }
0x126: {  	s0 =	simm.s32 $0x2300  }
0x127: {  	v10 =	vld [tilespmem:s0+$0xFFFFFF00];
	v6 =	vadd.f32 v7, v6;
	v7 =	vadd.f32 v9, v8  }
0x128: {  	v8 =	vld [tilespmem:s0+$0xFFFFFF80]  }
0x129: {  	v9 =	vld [tilespmem:s0+$0x0];
	v6 =	vadd.f32 v7, v6  }
0x12a: {  	v7 =	vld [tilespmem:s0+$0x80]  }
0x12b: {  	[tilespmem:s29+$0x41A0] =	vst.add.f32.msk $0xffff, v6  }
0x12c: {  	v6 =	vld [tilespmem:s30+$0xFFFFFF30]  }
0x12d: {  	v11 =	vld [tilespmem:s30+$0xFFFFFFB0]  }
0x12e: {  	v10 =	vmul.f32 v10, v5;
	v8 =	vmul.f32 v8, v4;
	v12 =	vld [tilespmem:s30+$0x30]  }
0x12f: {  	v9 =	vmul.f32 v9, v3;
	v13 =	vld [tilespmem:s30+$0xB0];
	v7 =	vmul.f32 v7, v2;
	_ =	sdelay $0x1  }
0x130: {  	v8 =	vadd.f32 v8, v10;
	v7 =	vadd.f32 v7, v9;
	_ =	sdelay $0x1  }
0x131: {  	v6 =	vmul.f32 v6, v5;
	v9 =	vmul.f32 v12, v3;
	v7 =	vadd.f32 v7, v8  }
0x132: {  	s31 =	simm.s32 $0x80;
	v10 =	vmul.f32 v13, v2;
	v8 =	vmul.f32 v11, v4  }
0x133: {  	[tilespmem:s31+$0x4180] =	vst.add.f32.msk $0xffff, v7  }
0x134: {  	v6 =	vadd.f32 v8, v6;
	v8 =	vadd.f32 v10, v9;
	v7 =	vld [tilespmem:s0+$0xFFFFFF10]  }
0x135: {  	v9 =	vld [tilespmem:s0+$0xFFFFFF90]  }
0x136: {  	v10 =	vld [tilespmem:s0+$0x10];
	v6 =	vadd.f32 v8, v6  }
0x137: {  	v8 =	vld [tilespmem:s0+$0x90]  }
0x138: {  	[tilespmem:s29+$0x41B0] =	vst.add.f32.msk $0xffff, v6  }
0x139: {  	v6 =	vld [tilespmem:s30+$0xFFFFFF40]  }
0x13a: {  	v11 =	vld [tilespmem:s30+$0xFFFFFFC0]  }
0x13b: {  	v12 =	vld [tilespmem:s30+$0x40];
	v7 =	vmul.f32 v7, v5;
	v9 =	vmul.f32 v9, v4  }
0x13c: {  	v13 =	vld [tilespmem:s30+$0xC0];
	v10 =	vmul.f32 v10, v3;
	v8 =	vmul.f32 v8, v2;
	_ =	sdelay $0x1  }
0x13d: {  	v7 =	vadd.f32 v9, v7;
	v8 =	vadd.f32 v8, v10;
	_ =	sdelay $0x1  }
0x13e: {  	v6 =	vmul.f32 v6, v5;
	v9 =	vmul.f32 v12, v3;
	v7 =	vadd.f32 v8, v7  }
0x13f: {  	v10 =	vmul.f32 v13, v2;
	v8 =	vmul.f32 v11, v4  }
0x140: {  	[tilespmem:s31+$0x4190] =	vst.add.f32.msk $0xffff, v7  }
0x141: {  	v6 =	vadd.f32 v8, v6;
	v8 =	vadd.f32 v10, v9;
	v7 =	vld [tilespmem:s0+$0xFFFFFF20]  }
0x142: {  	v9 =	vld [tilespmem:s0+$0xFFFFFFA0]  }
0x143: {  	v10 =	vld [tilespmem:s0+$0x20];
	v6 =	vadd.f32 v8, v6  }
0x144: {  	v8 =	vld [tilespmem:s0+$0xA0]  }
0x145: {  	[tilespmem:s29+$0x41C0] =	vst.add.f32.msk $0xffff, v6  }
0x146: {  	v6 =	vld [tilespmem:s30+$0xFFFFFF50]  }
0x147: {  	v11 =	vld [tilespmem:s30+$0xFFFFFFD0]  }
0x148: {  	v12 =	vld [tilespmem:s30+$0x50];
	v7 =	vmul.f32 v7, v5;
	v9 =	vmul.f32 v9, v4  }
0x149: {  	v13 =	vld [tilespmem:s30+$0xD0];
	v10 =	vmul.f32 v10, v3;
	v8 =	vmul.f32 v8, v2  }
0x14a: {  	s3 =	simm.s32 $0x2500  }
0x14b: {  	v14 =	vld [tilespmem:s3+$0xFFFFFF00];
	v7 =	vadd.f32 v9, v7;
	v8 =	vadd.f32 v8, v10  }
0x14c: {  	v9 =	vld [tilespmem:s3+$0xFFFFFF80]  }
0x14d: {  	v10 =	vld [tilespmem:s3+$0x0];
	v6 =	vmul.f32 v6, v5;
	v12 =	vmul.f32 v12, v3;
	v7 =	vadd.f32 v8, v7  }
0x14e: {  	v13 =	vmul.f32 v13, v2;
	v8 =	vmul.f32 v11, v4;
	v11 =	vld [tilespmem:s3+$0x80]  }
0x14f: {  	[tilespmem:s31+$0x41A0] =	vst.add.f32.msk $0xffff, v7  }
0x150: {  	v6 =	vadd.f32 v8, v6;
	v8 =	vadd.f32 v13, v12;
	v7 =	vld [tilespmem:s0+$0xFFFFFF30]  }
0x151: {  	v12 =	vld [tilespmem:s0+$0xFFFFFFB0]  }
0x152: {  	v13 =	vmul.f32 v14, v5;
	v9 =	vmul.f32 v9, v4;
	v14 =	vld [tilespmem:s0+$0x30];
	v6 =	vadd.f32 v8, v6  }
0x153: {  	v8 =	vmul.f32 v10, v3;
	v10 =	vmul.f32 v11, v2;
	v11 =	vld [tilespmem:s0+$0xB0]  }
0x154: {  	[tilespmem:s29+$0x41D0] =	vst.add.f32.msk $0xffff, v6  }
0x155: {  	v6 =	vadd.f32 v9, v13;
	v8 =	vadd.f32 v10, v8;
	v9 =	vld [tilespmem:s30+$0xFFFFFF60]  }
0x156: {  	v10 =	vld [tilespmem:s30+$0xFFFFFFE0]  }
0x157: {  	v7 =	vmul.f32 v7, v5;
	v13 =	vmul.f32 v14, v3;
	v14 =	vld [tilespmem:s30+$0xE0];
	v6 =	vadd.f32 v8, v6  }
0x158: {  	s24 =	simm.s32 $0x100;
	v8 =	vmul.f32 v12, v4;
	v12 =	vld [tilespmem:s30+$0x60];
	v11 =	vmul.f32 v11, v2  }
0x159: {  	[tilespmem:s24+$0x4180] =	vst.add.f32.msk $0xffff, v6  }
0x15a: {  	v6 =	vadd.f32 v8, v7;
	v15 =	vld [tilespmem:s3+$0xFFFFFF10];
	v7 =	vadd.f32 v11, v13  }
0x15b: {  	v11 =	vld [tilespmem:s3+$0xFFFFFF90]  }
0x15c: {  	v13 =	vld [tilespmem:s3+$0x10];
	v8 =	vmul.f32 v10, v4;
	v10 =	vmul.f32 v14, v2;
	v6 =	vadd.f32 v7, v6  }
0x15d: {  	v63 =	vld [tilespmem:s3+$0x90];
	v7 =	vmul.f32 v9, v5;
	v9 =	vmul.f32 v12, v3  }
0x15e: {  	[tilespmem:s31+$0x41B0] =	vst.add.f32.msk $0xffff, v6  }
0x15f: {  	v12 =	vadd.f32 v8, v7;
	v9 =	vadd.f32 v10, v9;
	v6 =	vld [tilespmem:s0+$0xFFFFFF40]  }
0x160: {  	v7 =	vld [tilespmem:s0+$0xFFFFFFC0]  }
0x161: {  	v8 =	vld [tilespmem:s0+$0x40];
	v10 =	vmul.f32 v15, v5;
	v11 =	vmul.f32 v11, v4;
	v14 =	vadd.f32 v9, v12  }
0x162: {  	v9 =	vld [tilespmem:s0+$0xC0];
	v12 =	vmul.f32 v13, v3;
	v13 =	vmul.f32 v63, v2  }
0x163: {  	s25 =	simm.s32 $0x600;
	[tilespmem:s29+$0x41E0] =	vst.add.f32.msk $0xffff, v14  }
.LBB2_8:
0x164: {  	p3 =	sne.s32 s25, $0x1E00;
	v10 =	vadd.f32 v11, v10;
	v11 =	vadd.f32 v13, v12;
	v12 =	vld [tilespmem:s30+$0xFFFFFF70]  }
0x165: {  	v13 =	vld [tilespmem:s30+$0xFFFFFFF0]  }
0x166: {  	v6 =	vmul.f32 v6, v5;
	v7 =	vmul.f32 v7, v4;
	v10 =	vadd.f32 v11, v10;
	v11 =	vld [tilespmem:s30+$0x70]  }
0x167: {  	v8 =	vmul.f32 v8, v3;
	v9 =	vmul.f32 v9, v2;
	v14 =	vld [tilespmem:s30+$0xF0];
	s30 =	smov.u32 s0;
	s0 =	smov.u32 s3  }
0x168: {  	[tilespmem:s24+$0x4190] =	vst.add.f32.msk $0xffff, v10  }
0x169: {  	v6 =	vadd.f32 v7, v6;
	v10 =	vld [tilespmem:s3+$0xFFFFFF20];
	v7 =	vadd.f32 v9, v8  }
0x16a: {  	v8 =	vld [tilespmem:s3+$0xFFFFFFA0]  }
0x16b: {  	v9 =	vld [tilespmem:s3+$0x20];
	v6 =	vadd.f32 v7, v6;
	v7 =	vmul.f32 v12, v5;
	v12 =	vmul.f32 v13, v4  }
0x16c: {  	v11 =	vmul.f32 v11, v3;
	v13 =	vld [tilespmem:s3+$0xA0];
	v14 =	vmul.f32 v14, v2  }
0x16d: {  	[tilespmem:s31+$0x41C0] =	vst.add.f32.msk $0xffff, v6  }
0x16e: {  	v7 =	vadd.f32 v12, v7;
	v6 =	vld [tilespmem:s30+$0xFFFFFF50];
	v11 =	vadd.f32 v14, v11  }
0x16f: {  	v12 =	vld [tilespmem:s30+$0xFFFFFFD0]  }
0x170: {  	v10 =	vmul.f32 v10, v5;
	v8 =	vmul.f32 v8, v4;
	v14 =	vld [tilespmem:s30+$0x50];
	v7 =	vadd.f32 v11, v7  }
0x171: {  	v9 =	vmul.f32 v9, v3;
	v11 =	vmul.f32 v13, v2;
	v13 =	vld [tilespmem:s30+$0xD0]  }
0x172: {  	s3 =	sadd.s32 $0x200, s3;
	[tilespmem:s29+$0x41F0] =	vst.add.f32.msk $0xffff, v7;
	s29 =	smov.u32 s31;
	s31 =	smov.u32 s24  }
0x173: {  	v8 =	vadd.f32 v8, v10;
	v7 =	vld [tilespmem:s3+$0xFFFFFF00];
	v9 =	vadd.f32 v11, v9  }
0x174: {  	v10 =	vld [tilespmem:s3+$0xFFFFFF80]  }
0x175: {  	v6 =	vmul.f32 v6, v5;
	v11 =	vld [tilespmem:s3+$0x0];
	v8 =	vadd.f32 v9, v8;
	v9 =	vmul.f32 v12, v4  }
0x176: {  	v14 =	vmul.f32 v14, v3;
	v12 =	vld [tilespmem:s3+$0x80];
	v13 =	vmul.f32 v13, v2  }
0x177: {  	[tilespmem:s31+$0x41A0] =	vst.add.f32.msk $0xffff, v8  }
0x178: {  	v6 =	vadd.f32 v9, v6;
	v8 =	vld [tilespmem:s0+$0xFFFFFF30];
	v9 =	vadd.f32 v13, v14  }
0x179: {  	v13 =	vld [tilespmem:s0+$0xFFFFFFB0]  }
0x17a: {  	v7 =	vmul.f32 v7, v5;
	v10 =	vmul.f32 v10, v4;
	v14 =	vld [tilespmem:s0+$0x30];
	v6 =	vadd.f32 v9, v6  }
0x17b: {  	v9 =	vmul.f32 v11, v3;
	v11 =	vmul.f32 v12, v2;
	v12 =	vld [tilespmem:s0+$0xB0]  }
0x17c: {  	[tilespmem:s29+$0x41D0] =	vst.add.f32.msk $0xffff, v6  }
0x17d: {  	v6 =	vadd.f32 v10, v7;
	v7 =	vadd.f32 v11, v9;
	v9 =	vld [tilespmem:s30+$0xFFFFFF60]  }
0x17e: {  	v10 =	vld [tilespmem:s30+$0xFFFFFFE0]  }
0x17f: {  	v6 =	vadd.f32 v7, v6;
	v7 =	vmul.f32 v8, v5;
	v8 =	vmul.f32 v13, v4;
	v11 =	vld [tilespmem:s30+$0x60]  }
0x180: {  	s24 =	sshra.s32 s25, $0x2;
	v13 =	vmul.f32 v14, v3;
	v12 =	vmul.f32 v12, v2;
	v14 =	vld [tilespmem:s30+$0xE0]  }
0x181: {  	[tilespmem:s24+$0x4180] =	vst.add.f32.msk $0xffff, v6  }
0x182: {  	v6 =	vadd.f32 v8, v7;
	v15 =	vld [tilespmem:s3+$0xFFFFFF10];
	v7 =	vadd.f32 v12, v13  }
0x183: {  	v8 =	vld [tilespmem:s3+$0xFFFFFF90]  }
0x184: {  	v12 =	vld [tilespmem:s3+$0x10];
	v6 =	vadd.f32 v7, v6;
	v7 =	vmul.f32 v9, v5;
	v9 =	vmul.f32 v10, v4  }
0x185: {  	v10 =	vmul.f32 v11, v3;
	v13 =	vld [tilespmem:s3+$0x90];
	v11 =	vmul.f32 v14, v2  }
0x186: {  	[tilespmem:s31+$0x41B0] =	vst.add.f32.msk $0xffff, v6  }
.Ltmp5:
0x187: {  	v9 =	vadd.f32 v9, v7;
	v6 =	vld [tilespmem:s0+$0xFFFFFF40];
	v14 =	vadd.f32 v11, v10;
	(pc) =	sbr.rel @p3 .LBB2_8-.Ltmp5, $4  }
0x188: {  	v7 =	vld [tilespmem:s0+$0xFFFFFFC0]  }
0x189: {  	v10 =	vmul.f32 v15, v5;
	v11 =	vmul.f32 v8, v4;
	v8 =	vld [tilespmem:s0+$0x40];
	v14 =	vadd.f32 v14, v9  }
0x18a: {  	v12 =	vmul.f32 v12, v3;
	v13 =	vmul.f32 v13, v2;
	v9 =	vld [tilespmem:s0+$0xC0]  }
0x18b: {  	s25 =	sadd.s32 $0x200, s25;
	[tilespmem:s29+$0x41E0] =	vst.add.f32.msk $0xffff, v14  }
0x18c: {  	v10 =	vadd.f32 v11, v10;
	v17 =	vadd.f32 v13, v12;
	_ =	sdelay $0x1  }
0x18d: {  	v10 =	vadd.f32 v17, v10;
	_ =	sdelay $0x1  }
0x18e: {  	[tilespmem:s24+$0x4190] =	vst.add.f32.msk $0xffff, v10  }
0x18f: {  	v10 =	vld [tilespmem:s3+$0xFFFFFF20]  }
0x190: {  	v18 =	vld [tilespmem:s3+$0xFFFFFFA0]  }
0x191: {  	v19 =	vld [tilespmem:s3+$0x20]  }
0x192: {  	v20 =	vld [tilespmem:s3+$0xA0];
	_ =	sdelay $0x3  }
0x193: {  	v10 =	vmul.f32 v10, v5;
	v11 =	vmul.f32 v18, v4  }
0x194: {  	v12 =	vmul.f32 v19, v3;
	v13 =	vmul.f32 v20, v2;
	_ =	sdelay $0x1  }
0x195: {  	v10 =	vadd.f32 v11, v10;
	v21 =	vadd.f32 v13, v12;
	_ =	sdelay $0x1  }
0x196: {  	v10 =	vadd.f32 v21, v10;
	_ =	sdelay $0x1  }
0x197: {  	[tilespmem:s24+$0x41A0] =	vst.add.f32.msk $0xffff, v10  }
0x198: {  	v10 =	vld [tilespmem:s3+$0xFFFFFF30]  }
0x199: {  	v22 =	vld [tilespmem:s3+$0xFFFFFFB0]  }
0x19a: {  	v23 =	vld [tilespmem:s3+$0x30]  }
0x19b: {  	v24 =	vld [tilespmem:s3+$0xB0];
	_ =	sdelay $0x3  }
0x19c: {  	v10 =	vmul.f32 v10, v5;
	v11 =	vmul.f32 v22, v4  }
0x19d: {  	v12 =	vmul.f32 v23, v3;
	v13 =	vmul.f32 v24, v2;
	_ =	sdelay $0x1  }
0x19e: {  	v10 =	vadd.f32 v11, v10;
	v25 =	vadd.f32 v13, v12;
	_ =	sdelay $0x1  }
0x19f: {  	v10 =	vadd.f32 v25, v10;
	_ =	sdelay $0x1  }
0x1a0: {  	[tilespmem:s24+$0x41B0] =	vst.add.f32.msk $0xffff, v10  }
0x1a1: {  	v10 =	vld [tilespmem:s3+$0xFFFFFF40]  }
0x1a2: {  	v26 =	vld [tilespmem:s3+$0xFFFFFFC0]  }
0x1a3: {  	v6 =	vmul.f32 v6, v5;
	v7 =	vmul.f32 v7, v4;
	v27 =	vld [tilespmem:s3+$0x40]  }
0x1a4: {  	v8 =	vmul.f32 v8, v3;
	v9 =	vmul.f32 v9, v2;
	v28 =	vld [tilespmem:s3+$0xC0];
	_ =	sdelay $0x1  }
0x1a5: {  	v6 =	vadd.f32 v7, v6;
	v29 =	vadd.f32 v9, v8;
	_ =	sdelay $0x1  }
0x1a6: {  	v6 =	vadd.f32 v29, v6;
	v30 =	vmul.f32 v10, v5;
	v31 =	vmul.f32 v26, v4  }
0x1a7: {  	v32 =	vmul.f32 v27, v3;
	v33 =	vmul.f32 v28, v2  }
0x1a8: {  	[tilespmem:s31+$0x41C0] =	vst.add.f32.msk $0xffff, v6  }
0x1a9: {  	v6 =	vld [tilespmem:s0+$0xFFFFFF50];
	v7 =	vadd.f32 v31, v30;
	v34 =	vadd.f32 v33, v32  }
0x1aa: {  	v35 =	vld [tilespmem:s0+$0xFFFFFFD0]  }
0x1ab: {  	v36 =	vld [tilespmem:s0+$0x50];
	v7 =	vadd.f32 v34, v7  }
0x1ac: {  	v37 =	vld [tilespmem:s0+$0xD0]  }
0x1ad: {  	[tilespmem:s24+$0x41C0] =	vst.add.f32.msk $0xffff, v7  }
0x1ae: {  	v7 =	vld [tilespmem:s3+$0xFFFFFF50]  }
0x1af: {  	v38 =	vld [tilespmem:s3+$0xFFFFFFD0]  }
0x1b0: {  	v6 =	vmul.f32 v6, v5;
	v9 =	vmul.f32 v35, v4;
	v39 =	vld [tilespmem:s3+$0x50]  }
0x1b1: {  	v8 =	vmul.f32 v37, v2;
	v10 =	vmul.f32 v36, v3;
	v40 =	vld [tilespmem:s3+$0xD0];
	_ =	sdelay $0x1  }
0x1b2: {  	v6 =	vadd.f32 v9, v6;
	v8 =	vadd.f32 v8, v10;
	_ =	sdelay $0x1  }
0x1b3: {  	v6 =	vadd.f32 v8, v6;
	v7 =	vmul.f32 v7, v5;
	v41 =	vmul.f32 v38, v4  }
0x1b4: {  	v42 =	vmul.f32 v39, v3;
	v43 =	vmul.f32 v40, v2  }
0x1b5: {  	[tilespmem:s31+$0x41D0] =	vst.add.f32.msk $0xffff, v6  }
0x1b6: {  	v6 =	vld [tilespmem:s0+$0xFFFFFF60];
	v7 =	vadd.f32 v41, v7;
	v44 =	vadd.f32 v43, v42  }
0x1b7: {  	v45 =	vld [tilespmem:s0+$0xFFFFFFE0]  }
0x1b8: {  	v46 =	vld [tilespmem:s0+$0x60];
	v7 =	vadd.f32 v44, v7  }
0x1b9: {  	v47 =	vld [tilespmem:s0+$0xE0]  }
0x1ba: {  	[tilespmem:s24+$0x41D0] =	vst.add.f32.msk $0xffff, v7  }
0x1bb: {  	v7 =	vld [tilespmem:s3+$0xFFFFFF60]  }
0x1bc: {  	v48 =	vld [tilespmem:s3+$0xFFFFFFE0]  }
0x1bd: {  	v6 =	vmul.f32 v6, v5;
	v9 =	vmul.f32 v45, v4;
	v49 =	vld [tilespmem:s3+$0x60]  }
0x1be: {  	v10 =	vmul.f32 v46, v3;
	v8 =	vmul.f32 v47, v2;
	v50 =	vld [tilespmem:s3+$0xE0];
	_ =	sdelay $0x1  }
0x1bf: {  	v14 =	vld [tilespmem:s30+$0xFFFFFF70];
	v6 =	vadd.f32 v9, v6;
	v8 =	vadd.f32 v8, v10  }
0x1c0: {  	v51 =	vld [tilespmem:s30+$0xFFFFFFF0]  }
0x1c1: {  	v52 =	vld [tilespmem:s30+$0x70];
	v6 =	vadd.f32 v8, v6;
	v7 =	vmul.f32 v7, v5;
	v53 =	vmul.f32 v48, v4  }
0x1c2: {  	v54 =	vld [tilespmem:s30+$0xF0];
	v12 =	vmul.f32 v49, v3;
	v13 =	vmul.f32 v50, v2  }
0x1c3: {  	[tilespmem:s31+$0x41E0] =	vst.add.f32.msk $0xffff, v6  }
0x1c4: {  	v6 =	vld [tilespmem:s0+$0xFFFFFF70];
	v7 =	vadd.f32 v53, v7;
	v55 =	vadd.f32 v13, v12  }
0x1c5: {  	v56 =	vld [tilespmem:s0+$0xFFFFFFF0]  }
0x1c6: {  	v57 =	vld [tilespmem:s0+$0x70];
	v7 =	vadd.f32 v55, v7  }
0x1c7: {  	v58 =	vld [tilespmem:s0+$0xF0]  }
0x1c8: {  	[tilespmem:s24+$0x41E0] =	vst.add.f32.msk $0xffff, v7  }
0x1c9: {  	v7 =	vld [tilespmem:s3+$0xFFFFFF70]  }
0x1ca: {  	v15 =	vld [tilespmem:s3+$0xFFFFFFF0]  }
0x1cb: {  	v16 =	vld [tilespmem:s3+$0x70]  }
0x1cc: {  	v14 =	vmul.f32 v14, v5;
	v11 =	vmul.f32 v54, v2;
	v17 =	vld [tilespmem:s3+$0xF0]  }
0x1cd: {  	v9 =	vmul.f32 v51, v4;
	v10 =	vmul.f32 v52, v3  }
0x1ce: {  	v6 =	vmul.f32 v6, v5;
	v61 =	vmul.f32 v56, v4  }
0x1cf: {  	v9 =	vadd.f32 v9, v14;
	v62 =	vmul.f32 v57, v3;
	v8 =	vmul.f32 v58, v2  }
0x1d0: {  	v60 =	vadd.f32 v11, v10;
	v59 =	vmul.f32 v7, v5;
	v63 =	vmul.f32 v15, v4  }
0x1d1: {  	v6 =	vadd.f32 v61, v6;
	v3 =	vmul.f32 v16, v3;
	v2 =	vmul.f32 v17, v2  }
0x1d2: {  	v8 =	vadd.f32 v8, v62;
	v7 =	vadd.f32 v60, v9  }
.Ltmp6:
0x1d3: {  	v4 =	vadd.f32 v63, v59;
	v2 =	vadd.f32 v2, v3;
	(pc) =	sbr.rel @p2 .LBB2_11-.Ltmp6, $4  }
0x1d4: {  	v3 =	vadd.f32 v8, v6  }
0x1d5: {  	[tilespmem:s29+$0x41F0] =	vst.add.f32.msk $0xffff, v7;
	v2 =	vadd.f32 v2, v4  }
0x1d6: {  	[tilespmem:s31+$0x41F0] =	vst.add.f32.msk $0xffff, v3  }
0x1d7: {  	[tilespmem:s24+$0x41F0] =	vst.add.f32.msk $0xffff, v2  }
.Ltmp7:
0x1d8: {  	s0 =	sshll.u32 s28, $0x10;
	(pc) =	sbr.rel .LBB2_5-.Ltmp7, $4  }
0x1d9: {  	s0 =	sadd.s32 s0, s9  }
0x1da: {  	s0 =	sshrl.u32 s0, $0x3  }
0x1db: {  	s28 =	sadd.s32 $0x1, s28;
	s0 =	sadd.s32 s0, s6  }
0x1dc: {  	[tilespmem:s19], [sflag:$0x2] =	stream.strided.gather [hbm4b:s0+s17], $0x2000, s18, s17, $0x38;
	[tilespmem:$0x7200] =	vst v63  }
.LBB2_11:
0x1dd: {  	s0 =	simm.s32 $0x0  }
0x1de: {  	v3 =	vld [tilespmem:s0+$0x4180]  }
0x1df: {  	v7 =	vld [tilespmem:s0+$0x4190]  }
0x1e0: {  	v6 =	vld [tilespmem:s0+$0x41A0]  }
0x1e1: {  	v1 =	vbroadcast v1, $0x0;
	v5 =	vld [tilespmem:s0+$0x41B0]  }
0x1e2: {  	v4 =	vld [tilespmem:s0+$0x41C0]  }
0x1e3: {  	v2 =	vld [tilespmem:s0+$0x41D0];
	v8 =	vadd.f32 v3, v1  }
0x1e4: {  	s3 =	simm.s32 $0x200;
	v7 =	vadd.f32 v7, v1;
	v3 =	vld [tilespmem:s0+$0x41E0]  }
.LBB2_12:
0x1e5: {  	p2 =	sne.s32 s3, $0x1E00;
	v8 =	vand.u32 $0x7FFFFFFF, v8;
	v6 =	vadd.f32 v6, v1;
	v9 =	vld [tilespmem:s0+$0x41F0]  }
0x1e6: {  	s24 =	sshra.s32 s3, $0x2;
	[tilespmem:s0+$0x4180] =	vst v8;
	v7 =	vand.u32 $0x7FFFFFFF, v7;
	v5 =	vadd.f32 v5, v1  }
0x1e7: {  	v8 =	vld [tilespmem:s24+$0x4180];
	[tilespmem:s0+$0x4190] =	vst v7;
	v6 =	vand.u32 $0x7FFFFFFF, v6;
	v4 =	vadd.f32 v4, v1  }
0x1e8: {  	v7 =	vld [tilespmem:s24+$0x4190];
	[tilespmem:s0+$0x41A0] =	vst v6;
	v5 =	vand.u32 $0x7FFFFFFF, v5;
	v2 =	vadd.f32 v2, v1  }
.Ltmp8:
0x1e9: {  	v6 =	vld [tilespmem:s24+$0x41A0];
	[tilespmem:s0+$0x41B0] =	vst v5;
	v4 =	vand.u32 $0x7FFFFFFF, v4;
	v3 =	vadd.f32 v3, v1;
	(pc) =	sbr.rel @p2 .LBB2_12-.Ltmp8, $4  }
0x1ea: {  	v5 =	vld [tilespmem:s24+$0x41B0];
	[tilespmem:s0+$0x41C0] =	vst v4;
	v2 =	vand.u32 $0x7FFFFFFF, v2;
	v9 =	vadd.f32 v9, v1  }
0x1eb: {  	v4 =	vld [tilespmem:s24+$0x41C0];
	[tilespmem:s0+$0x41D0] =	vst v2;
	v3 =	vand.u32 $0x7FFFFFFF, v3  }
0x1ec: {  	v8 =	vadd.f32 v8, v1;
	v2 =	vld [tilespmem:s24+$0x41D0];
	[tilespmem:s0+$0x41E0] =	vst v3;
	v9 =	vand.u32 $0x7FFFFFFF, v9  }
0x1ed: {  	s3 =	sadd.s32 $0x200, s3;
	v7 =	vadd.f32 v7, v1;
	v3 =	vld [tilespmem:s24+$0x41E0];
	[tilespmem:s0+$0x41F0] =	vst v9;
	s0 =	smov.u32 s24  }
0x1ee: {  	v8 =	vand.u32 $0x7FFFFFFF, v8;
	v6 =	vadd.f32 v6, v1;
	v9 =	vld [tilespmem:s0+$0x41F0]  }
0x1ef: {  	[tilespmem:s0+$0x4180] =	vst v8;
	v7 =	vand.u32 $0x7FFFFFFF, v7;
	v5 =	vadd.f32 v5, v1  }
0x1f0: {  	[tilespmem:s0+$0x4190] =	vst v7;
	v6 =	vand.u32 $0x7FFFFFFF, v6;
	v4 =	vadd.f32 v4, v1  }
0x1f1: {  	[tilespmem:s0+$0x41A0] =	vst v6;
	v5 =	vand.u32 $0x7FFFFFFF, v5;
	v2 =	vadd.f32 v2, v1  }
0x1f2: {  	[tilespmem:s0+$0x41B0] =	vst v5;
	v4 =	vand.u32 $0x7FFFFFFF, v4;
	v3 =	vadd.f32 v3, v1  }
0x1f3: {  	[tilespmem:s0+$0x41C0] =	vst v4;
	v2 =	vand.u32 $0x7FFFFFFF, v2;
	v1 =	vadd.f32 v9, v1  }
0x1f4: {  	[tilespmem:s0+$0x41D0] =	vst v2;
	v2 =	vand.u32 $0x7FFFFFFF, v3  }
0x1f5: {  	[tilespmem:s0+$0x41E0] =	vst v2;
	v1 =	vand.u32 $0x7FFFFFFF, v1  }
0x1f6: {  	[tilespmem:s0+$0x41F0] =	vst v1  }
0x1f7: {  	[spmem:s11] =	stream.strided.scatter [tilespmem:s23], [sflag:$0x3], $0x800, s17, s22, $0x38;
	[tilespmem:$0x7200] =	vst v63  }
.Ltmp9:
0x1f8: {  	_ =	swait.ge [sflag:s15], $0x800;
	(pc) =	sbr.rel @p1 .LBB2_23-.Ltmp9, $3  }
0x1f9: {  	[sflag:s15] =	ssyncset.done $0x0  }
0x1fa: {  	[sflag:s15] =	ssyncadd.s32 $0xFFFFF800  }
0x1fb: {  	[bflag:$0x0] =	sbarrier.arrive $0xFFFF;
	_ =	sdelay $0x1  }
0x1fc: {  	s0 =	simm.s32 $0x4980  }
0x1fd: {  	[tilespmem:s0], [sflag:$0x3] =	stream.strided.gather [spmem:s10], $0x2000, s17, s22, $0x38;
	[tilespmem:$0x7200] =	vst v63  }
0x1fe: {  	_ =	swait.ge [sflag:s15], $0x2000  }
0x1ff: {  	[sflag:s15] =	ssyncset.done $0x0  }
0x200: {  	s3 =	simm.s32 $0x0;
	[sflag:s15] =	ssyncadd.s32 $0xFFFFE000  }
0x201: {  	v1 =	vld [tilespmem:s3+$0x4980]  }
0x202: {  	v2 =	vld [tilespmem:s3+$0x4990]  }
0x203: {  	v6 =	vld [tilespmem:s3+$0x49A0]  }
0x204: {  	v8 =	vld [tilespmem:s3+$0x49B0]  }
0x205: {  	v9 =	vld [tilespmem:s3+$0x49C0]  }
0x206: {  	v10 =	vld [tilespmem:s3+$0x49D0]  }
0x207: {  	v11 =	vld [tilespmem:s3+$0x49E0]  }
0x208: {  	s0 =	simm.s32 $0x80;
	v12 =	vld [tilespmem:s3+$0x49F0]  }
0x209: {  	v5 =	vld [tilespmem:s0+$0x4980]  }
0x20a: {  	v7 =	vld [tilespmem:s0+$0x4990]  }
0x20b: {  	v3 =	vld [tilespmem:s0+$0x49A0]  }
0x20c: {  	v4 =	vld [tilespmem:s0+$0x49B0];
	v2 =	vmax.f32 v1, v2  }
0x20d: {  	v1 =	vld [tilespmem:s0+$0x49C0];
	v8 =	vmax.f32 v6, v8;
	v9 =	vmax.f32 v9, v10;
	v10 =	vmax.f32 v11, v12  }
0x20e: {  	v6 =	vld [tilespmem:s0+$0x49D0];
	v11 =	vmax.f32 v2, v8;
	v9 =	vmax.f32 v9, v10  }
0x20f: {  	s3 =	simm.s32 $0x400;
	v2 =	vimm.f32 $0.0e+00;
	v8 =	vld [tilespmem:s0+$0x49E0];
	v9 =	vmax.f32 v11, v9  }
.LBB2_15:
0x210: {  	p2 =	sne.s32 s3, $0x7E00;
	v10 =	vld [tilespmem:s0+$0x49F0];
	s0 =	sshra.s32 s3, $0x2;
	v2 =	vmax.f32 v2, v9;
	v9 =	vmov v3  }
0x211: {  	v11 =	vld [tilespmem:s0+$0x4980];
	v12 =	vmov v4  }
0x212: {  	v13 =	vld [tilespmem:s0+$0x4990]  }
.Ltmp10:
0x213: {  	v3 =	vld [tilespmem:s0+$0x49A0];
	(pc) =	sbr.rel @p2 .LBB2_15-.Ltmp10, $4  }
0x214: {  	v14 =	vmax.f32 v5, v7;
	v4 =	vld [tilespmem:s0+$0x49B0]  }
0x215: {  	v12 =	vmax.f32 v9, v12;
	v9 =	vmax.f32 v1, v6;
	v1 =	vld [tilespmem:s0+$0x49C0];
	v8 =	vmax.f32 v8, v10  }
0x216: {  	v10 =	vmax.f32 v14, v12;
	v6 =	vld [tilespmem:s0+$0x49D0];
	v9 =	vmax.f32 v9, v8;
	v5 =	vmov v11  }
0x217: {  	s3 =	sadd.s32 $0x200, s3;
	v8 =	vld [tilespmem:s0+$0x49E0];
	v9 =	vmax.f32 v10, v9;
	v7 =	vmov v13  }
0x218: {  	v10 =	vld [tilespmem:s0+$0x49F0];
	_ =	sdelay $0x3  }
0x219: {  	v5 =	vmax.f32 v5, v7  }
0x21a: {  	v3 =	vmax.f32 v3, v4;
	v1 =	vmax.f32 v1, v6;
	v63 =	vmax.f32 v8, v10  }
0x21b: {  	v3 =	vmax.f32 v5, v3;
	v1 =	vmax.f32 v1, v63  }
0x21c: {  	v2 =	vmax.f32 v2, v9;
	v1 =	vmax.f32 v3, v1  }
0x21d: {  	v1 =	vmax.f32 v2, v1  }
0x21e: {  	(xrf0) =	vmax.scan.msk.f32 $0xffff, v1;
	_ =	sdelay $0x5  }
0x21f: {  	v1, _, _ =	vpop (xrf0)  }
0x220: {  	(v2sf) =	vpush v1, $0xF;
	_ =	sdelay $0xe  }
0x221: {  	s3 =	simm.s32 $0x0;
	s0 =	simm.f32 $0.0e+00;
	s24 =	spop (v2sf)  }
.LBB2_17:
0x222: {  	s25 =	simm.s32 $0x0  }
0x223: {  	v2 =	vld [tilespmem:s25+$0x49F0]  }
0x224: {  	v3 =	vld [tilespmem:s25+$0x49E0]  }
0x225: {  	v4 =	vld [tilespmem:s25+$0x49C0]  }
0x226: {  	s28 =	sadd.f32 s24, s0;
	v5 =	vld [tilespmem:s25+$0x49D0]  }
0x227: {  	v6 =	vld [tilespmem:s25+$0x49A0]  }
0x228: {  	v7 =	vld [tilespmem:s25+$0x4990];
	s28 =	smul.f32 $5.000000000e-01, s28  }
0x229: {  	s29 =	simm.s32 $0x80;
	v8 =	vld [tilespmem:s25+$0x49B0]  }
0x22a: {  	v10 =	vld [tilespmem:s29+$0x49F0];
	v1 =	vmov s28  }
0x22b: {  	vm0 =	vge.f32 v3, v1;
	v3 =	vld [tilespmem:s25+$0x4980]  }
0x22c: {  	vm1 =	vge.f32 v5, v1;
	vm2 =	vge.f32 v6, v1;
	vm3 =	vge.f32 v4, v1;
	v5 =	vld [tilespmem:s29+$0x49C0]  }
0x22d: {  	v9 =	vsel vm0, $0x3F800000, v0;
	vm0 =	vge.f32 v2, v1;
	v2 =	vld [tilespmem:s29+$0x49E0];
	v6 =	vsel vm3, $0x3F800000, v0  }
0x22e: {  	v14 =	vld [tilespmem:s29+$0x49B0];
	v11 =	vsel vm1, $0x3F800000, v0;
	vm3 =	vge.f32 v7, v1;
	v4 =	vsel vm0, $0x3F800000, v0  }
0x22f: {  	vm0 =	vge.f32 v8, v1;
	v6 =	vadd.f32 v11, v6;
	v8 =	vld [tilespmem:s29+$0x49A0];
	v4 =	vadd.f32 v4, v9  }
0x230: {  	v13 =	vsel vm2, $0x3F800000, v0;
	v12 =	vsel vm3, $0x3F800000, v0;
	v9 =	vld [tilespmem:s29+$0x49D0]  }
0x231: {  	v11 =	vld [tilespmem:s29+$0x4990];
	vm1 =	vge.f32 v3, v1;
	v3 =	vsel vm0, $0x3F800000, v0;
	v6 =	vadd.f32 v4, v6  }
0x232: {  	vm3 =	vge.f32 v5, v1;
	v7 =	vsel vm1, $0x3F800000, v0;
	vm0 =	vge.f32 v2, v1  }
0x233: {  	s25 =	simm.s32 $0x100;
	v2 =	vimm.f32 $0.0e+00;
	v7 =	vadd.f32 v12, v7;
	v12 =	vadd.f32 v3, v13;
	v13 =	vld [tilespmem:s29+$0x4980]  }
0x234: {  	v4 =	vld [tilespmem:s25+$0x49C0];
	v15 =	vsel vm0, $0x3F800000, v0;
	vm0 =	vge.f32 v10, v1;
	vm2 =	vge.f32 v8, v1  }
0x235: {  	vm1 =	vge.f32 v9, v1;
	v5 =	vsel vm0, $0x3F800000, v0;
	v10 =	vadd.f32 v12, v7;
	v12 =	vld [tilespmem:s25+$0x49E0]  }
0x236: {  	v3 =	vld [tilespmem:s25+$0x49F0];
	v9 =	vsel vm3, $0x3F800000, v0;
	vm0 =	vge.f32 v14, v1;
	vm3 =	vge.f32 v11, v1  }
0x237: {  	v8 =	vld [tilespmem:s25+$0x49D0];
	v63 =	vsel vm2, $0x3F800000, v0;
	v16 =	vsel vm1, $0x3F800000, v0;
	v7 =	vadd.f32 v5, v15  }
0x238: {  	v15 =	vsel vm3, $0x3F800000, v0;
	v6 =	vadd.f32 v6, v10;
	v10 =	vld [tilespmem:s25+$0x49A0];
	vm1 =	vge.f32 v13, v1  }
0x239: {  	v11 =	vld [tilespmem:s25+$0x49B0];
	v9 =	vadd.f32 v16, v9;
	v13 =	vsel vm0, $0x3F800000, v0;
	v14 =	vsel vm1, $0x3F800000, v0  }
0x23a: {  	s29 =	simm.s32 $0x600;
	v5 =	vld [tilespmem:s25+$0x4990];
	v13 =	vadd.f32 v13, v63;
	vm0 =	vge.f32 v12, v1;
	v12 =	vadd.f32 v15, v14  }
.LBB2_18:
0x23b: {  	p2 =	sne.s32 s29, $0x7E00;
	v14 =	vld [tilespmem:s25+$0x4980];
	s25 =	sshra.s32 s29, $0x2;
	s29 =	sadd.s32 $0x200, s29;
	v15 =	vsel vm0, $0x3F800000, v0;
	vm0 =	vge.f32 v3, v1;
	v2 =	vadd.f32 v6, v2  }
0x23c: {  	v3 =	vld [tilespmem:s25+$0x49F0];
	vm1 =	vge.f32 v8, v1;
	v6 =	vadd.f32 v13, v12;
	v12 =	vadd.f32 v7, v9  }
0x23d: {  	vm3 =	vge.f32 v4, v1;
	v7 =	vsel vm0, $0x3F800000, v0;
	v13 =	vld [tilespmem:s25+$0x49E0];
	vm2 =	vge.f32 v10, v1  }
.Ltmp11:
0x23e: {  	v9 =	vsel vm3, $0x3F800000, v0;
	v10 =	vsel vm1, $0x3F800000, v0;
	v7 =	vadd.f32 v7, v15;
	v4 =	vld [tilespmem:s25+$0x49C0];
	(pc) =	sbr.rel @p2 .LBB2_18-.Ltmp11, $4  }
0x23f: {  	v9 =	vadd.f32 v10, v9;
	v6 =	vadd.f32 v12, v6;
	v8 =	vld [tilespmem:s25+$0x49D0];
	vm0 =	vge.f32 v11, v1  }
0x240: {  	vm3 =	vge.f32 v5, v1;
	v10 =	vld [tilespmem:s25+$0x49A0];
	vm1 =	vge.f32 v14, v1;
	v14 =	vsel vm0, $0x3F800000, v0  }
0x241: {  	v16 =	vsel vm2, $0x3F800000, v0;
	v15 =	vsel vm3, $0x3F800000, v0;
	v5 =	vld [tilespmem:s25+$0x4990];
	v12 =	vsel vm1, $0x3F800000, v0  }
0x242: {  	v11 =	vld [tilespmem:s25+$0x49B0];
	vm0 =	vge.f32 v13, v1;
	v12 =	vadd.f32 v15, v12;
	v13 =	vadd.f32 v14, v16  }
0x243: {  	v14 =	vld [tilespmem:s25+$0x4980];
	v15 =	vsel vm0, $0x3F800000, v0  }
0x244: {  	vm12 =	vge.f32 v3, v1;
	v7 =	vadd.f32 v7, v9;
	vm3 =	vge.f32 v4, v1  }
0x245: {  	vm1 =	vge.f32 v8, v1;
	v3 =	vadd.f32 v13, v12;
	v59 =	vsel vm12, $0x3F800000, v0  }
0x246: {  	v60 =	vsel vm3, $0x3F800000, v0;
	vm2 =	vge.f32 v10, v1;
	v61 =	vsel vm1, $0x3F800000, v0  }
0x247: {  	v4 =	vadd.f32 v59, v15;
	v8 =	vadd.f32 v61, v60;
	vm15 =	vge.f32 v5, v1  }
0x248: {  	v10 =	vsel vm2, $0x3F800000, v0;
	vm13 =	vge.f32 v11, v1;
	vm14 =	vge.f32 v14, v1  }
0x249: {  	v63 =	vsel vm15, $0x3F800000, v0;
	v1 =	vsel vm13, $0x3F800000, v0;
	v62 =	vsel vm14, $0x3F800000, v0  }
0x24a: {  	v1 =	vadd.f32 v1, v10;
	v5 =	vadd.f32 v63, v62  }
0x24b: {  	v2 =	vadd.f32 v6, v2;
	v3 =	vadd.f32 v7, v3  }
0x24c: {  	v4 =	vadd.f32 v4, v8;
	v1 =	vadd.f32 v1, v5;
	_ =	sdelay $0x1  }
0x24d: {  	v2 =	vadd.f32 v3, v2;
	v1 =	vadd.f32 v4, v1;
	_ =	sdelay $0x1  }
0x24e: {  	v1 =	vadd.f32 v1, v2;
	_ =	sdelay $0x1  }
0x24f: {  	(xrf2) =	vadd.scan.msk.f32 $0xffff, v1;
	_ =	sdelay $0x9  }
0x250: {  	v1, _, _ =	vpop (xrf2)  }
0x251: {  	(v2sf) =	vpush v1, $0xF;
	_ =	sdelay $0xe  }
0x252: {  	s31 =	spop (v2sf)  }
0x253: {  	p2 =	sge.f32 s31, $8.190000000e+02  }
0x254: {  	s3 =	sadd.s32 $0x1, s3  }
0x255: {  	s0 =	smov.u32 @p2 s28;
	s28 =	smov.u32 @p2 s24;
	p2 =	seq.s32 s3, $0x18  }
.Ltmp12:
0x256: {  	_ = 	snop;
	(pc) =	sbr.rel @!p2 .LBB2_17-.Ltmp12, $2  }
0x257: {  	_ =	sdelay $0x2  }
0x258: {  	s24 =	smov.u32 s28  }
0x259: {  	s3 =	simm.s32 $0x0  }
0x25a: {  	v3 =	vld [tilespmem:s3+$0x49F0]  }
0x25b: {  	v4 =	vld [tilespmem:s3+$0x49E0]  }
0x25c: {  	v5 =	vld [tilespmem:s3+$0x49A0]  }
0x25d: {  	v7 =	vld [tilespmem:s3+$0x4990]  }
0x25e: {  	v9 =	vld [tilespmem:s3+$0x4980]  }
0x25f: {  	v6 =	vld [tilespmem:s3+$0x49C0]  }
0x260: {  	v8 =	vld [tilespmem:s3+$0x49B0]  }
0x261: {  	v2 =	vmov s0  }
0x262: {  	vm0 =	vgt.f32 v4, v2;
	vm1 =	vgt.f32 v5, v2;
	vm2 =	vgt.f32 v3, v2  }
0x263: {  	vm3 =	vgt.f32 v7, v2;
	vm4 =	vgt.f32 v9, v2;
	v4 =	vnsel vm0, $0x0, v4  }
0x264: {  	s24 =	simm.s32 $0x80;
	v11 =	vld [tilespmem:s3+$0x49D0];
	v10 =	vsel vm2, $0x3F800000, v0;
	v12 =	vsel vm0, $0x3F800000, v0;
	v3 =	vnsel vm2, $0x0, v3  }
0x265: {  	v15 =	vld [tilespmem:s24+$0x49E0];
	vm0 =	vgt.f32 v8, v2;
	vm2 =	vgt.f32 v6, v2;
	v17 =	vsel vm3, $0x3F800000, v0  }
0x266: {  	v18 =	vsel vm1, $0x3F800000, v0;
	v5 =	vnsel vm1, $0x0, v5;
	v19 =	vnsel vm4, $0x0, v9  }
0x267: {  	v7 =	vnsel vm3, $0x0, v7;
	v16 =	vadd.f32 v3, v4;
	v13 =	vnsel vm2, $0x0, v6  }
0x268: {  	v10 =	vadd.f32 v10, v12;
	v4 =	vsel vm2, $0x3F800000, v0;
	v12 =	vld [tilespmem:s24+$0x49F0];
	v3 =	vsel vm4, $0x3F800000, v0  }
0x269: {  	vm2 =	vgt.f32 v11, v2;
	v17 =	vadd.f32 v17, v3;
	v3 =	vsel vm0, $0x3F800000, v0  }
0x26a: {  	v20 =	vld [tilespmem:s24+$0x49C0];
	vm1 =	vgt.f32 v15, v2;
	v14 =	vsel vm2, $0x3F800000, v0;
	v18 =	vadd.f32 v3, v18  }
0x26b: {  	v6 =	vld [tilespmem:s24+$0x49A0];
	v8 =	vnsel vm0, $0x0, v8;
	v11 =	vnsel vm2, $0x0, v11;
	v14 =	vadd.f32 v14, v4  }
0x26c: {  	v8 =	vadd.f32 v8, v5;
	v5 =	vnsel vm1, $0x0, v15;
	v3 =	vld [tilespmem:s24+$0x4990];
	v9 =	vadd.f32 v18, v17  }
0x26d: {  	v4 =	vld [tilespmem:s24+$0x49B0];
	v10 =	vadd.f32 v10, v14;
	v14 =	vadd.f32 v7, v19;
	vm3 =	vgt.f32 v12, v2  }
0x26e: {  	v7 =	vld [tilespmem:s24+$0x49D0];
	v17 =	vadd.f32 v11, v13;
	v13 =	vsel vm1, $0x3F800000, v0;
	v15 =	vsel vm3, $0x3F800000, v0  }
0x26f: {  	v11 =	vnsel vm3, $0x0, v12;
	v12 =	vadd.f32 v15, v13;
	v15 =	vadd.f32 v8, v14;
	v14 =	vld [tilespmem:s24+$0x4980]  }
0x270: {  	v1 =	vimm.f32 $0.0e+00;
	vm0 =	vgt.f32 v6, v2  }
0x271: {  	vm3 =	vgt.f32 v20, v2;
	v16 =	vadd.f32 v16, v17;
	vm2 =	vgt.f32 v3, v2  }
0x272: {  	vm1 =	vgt.f32 v4, v2;
	v5 =	vadd.f32 v11, v5;
	v11 =	vnsel vm3, $0x0, v20  }
0x273: {  	s3 =	simm.s32 $0x400;
	v13 =	vsel vm3, $0x3F800000, v0;
	v8 =	vimm.f32 $0.0e+00;
	vm3 =	vgt.f32 v7, v2  }
.LBB2_21:
0x274: {  	s24 =	sshra.s32 s3, $0x2;
	p2 =	sne.s32 s3, $0x7E00;
	s3 =	sadd.s32 $0x200, s3;
	vm4 =	vgt.f32 v14, v2;
	v17 =	vnsel vm0, $0x0, v6;
	v18 =	vsel vm3, $0x3F800000, v0  }
0x275: {  	v19 =	vld [tilespmem:s24+$0x49F0];
	v14 =	vnsel vm4, $0x0, v14;
	v20 =	vsel vm4, $0x3F800000, v0;
	v15 =	vadd.f32 v16, v15  }
0x276: {  	v21 =	vsel vm2, $0x3F800000, v0;
	v22 =	vsel vm0, $0x3F800000, v0;
	v9 =	vadd.f32 v10, v9;
	v16 =	vld [tilespmem:s24+$0x49E0]  }
0x277: {  	v10 =	vsel vm1, $0x3F800000, v0;
	v20 =	vadd.f32 v21, v20;
	v6 =	vld [tilespmem:s24+$0x49A0];
	v1 =	vadd.f32 v15, v1  }
0x278: {  	v10 =	vadd.f32 v10, v22;
	v13 =	vadd.f32 v18, v13;
	v15 =	vnsel vm2, $0x0, v3;
	v3 =	vld [tilespmem:s24+$0x4990]  }
0x279: {  	v21 =	vnsel vm1, $0x0, v4;
	v8 =	vadd.f32 v9, v8;
	v18 =	vld [tilespmem:s24+$0x49C0]  }
0x27a: {  	v9 =	vadd.f32 v10, v20;
	v10 =	vadd.f32 v12, v13;
	v4 =	vld [tilespmem:s24+$0x49B0]  }
0x27b: {  	v12 =	vnsel vm3, $0x0, v7;
	v13 =	vadd.f32 v15, v14;
	v15 =	vadd.f32 v21, v17  }
0x27c: {  	vm3 =	vgt.f32 v19, v2;
	vm1 =	vgt.f32 v16, v2;
	vm0 =	vgt.f32 v6, v2;
	v7 =	vld [tilespmem:s24+$0x49D0]  }
.Ltmp13:
0x27d: {  	v20 =	vadd.f32 v12, v11;
	v17 =	vsel vm3, $0x3F800000, v0;
	v16 =	vnsel vm1, $0x0, v16;
	v14 =	vld [tilespmem:s24+$0x4980];
	(pc) =	sbr.rel @p2 .LBB2_21-.Ltmp13, $4  }
0x27e: {  	v11 =	vnsel vm3, $0x0, v19;
	v12 =	vsel vm1, $0x3F800000, v0;
	vm2 =	vgt.f32 v3, v2  }
0x27f: {  	v19 =	vadd.f32 v11, v16;
	vm3 =	vgt.f32 v18, v2;
	vm1 =	vgt.f32 v4, v2  }
0x280: {  	v15 =	vadd.f32 v15, v13;
	v12 =	vadd.f32 v17, v12;
	v11 =	vnsel vm3, $0x0, v18  }
0x281: {  	v16 =	vadd.f32 v5, v20;
	v13 =	vsel vm3, $0x3F800000, v0;
	v5 =	vmovc v19;
	vm3 =	vgt.f32 v7, v2  }
0x282: {  	vm4 =	vgt.f32 v14, v2;
	v2 =	vnsel vm0, $0x0, v6  }
0x283: {  	v56 =	vsel vm3, $0x3F800000, v0;
	v57 =	vsel vm2, $0x3F800000, v0;
	v18 =	vsel vm0, $0x3F800000, v0  }
0x284: {  	v9 =	vadd.f32 v10, v9;
	v3 =	vnsel vm2, $0x0, v3;
	v4 =	vnsel vm1, $0x0, v4  }
0x285: {  	v7 =	vnsel vm3, $0x0, v7;
	v59 =	vsel vm1, $0x3F800000, v0;
	v15 =	vadd.f32 v16, v15  }
0x286: {  	v14 =	vnsel vm4, $0x0, v14;
	v2 =	vadd.f32 v4, v2;
	v60 =	vadd.f32 v7, v11  }
0x287: {  	v17 =	vsel vm4, $0x3F800000, v0;
	v61 =	vadd.f32 v59, v18;
	v3 =	vadd.f32 v3, v14  }
0x288: {  	v6 =	vadd.f32 v56, v13;
	v58 =	vadd.f32 v57, v17  }
0x289: {  	v2 =	vadd.f32 v2, v3;
	v3 =	vadd.f32 v5, v60  }
0x28a: {  	v63 =	vadd.f32 v12, v6;
	v62 =	vadd.f32 v61, v58  }
0x28b: {  	v1 =	vadd.f32 v15, v1;
	v2 =	vadd.f32 v3, v2  }
0x28c: {  	v3 =	vadd.f32 v9, v8;
	v4 =	vadd.f32 v63, v62  }
0x28d: {  	v1 =	vadd.f32 v2, v1  }
0x28e: {  	v2 =	vadd.f32 v4, v3  }
0x28f: {  	(xrf2) =	vadd.scan.msk.f32 $0xffff, v1  }
0x290: {  	(xrf2) =	vadd.scan.msk.f32 $0xffff, v2;
	_ =	sdelay $0x8  }
0x291: {  	v1, _, _ =	vpop (xrf2)  }
0x292: {  	(v2sf) =	vpush v1, $0xF;
	v1, _, _ =	vpop (xrf2)  }
0x293: {  	(v2sf) =	vpush v1, $0xF;
	_ =	sdelay $0xd  }
0x294: {  	s3 =	spop (v2sf)  }
0x295: {  	s24 =	spop (v2sf)  }
0x296: {  	s24 =	ssub.f32 $8.190000000e+02, s24;
	_ =	sdelay $0x1  }
0x297: {  	s0 =	smul.f32 s24, s0;
	_ =	sdelay $0x1  }
0x298: {  	s0 =	sadd.f32 s0, s3;
	_ =	sdelay $0x1  }
0x299: {  	s0 =	smul.f32 $1.221001260e-03, s0;
	_ =	sdelay $0x1  }
0x29a: {  	v1 =	vmov s0  }
.Ltmp14:
0x29b: {  	s31 =	simm.s32 $0x6980;
	[tilespmem:$0x6980] =	vst v1;
	(pc) =	sbr.rel .LBB2_23-.Ltmp14, $4  }
0x29c: {  	[hbm4b:s12+s4] =	stream.linear.scatter [tilespmem:s31], [sflag:$0x3], $0x80, $0x38;
	[tilespmem:$0x7200] =	vst v63  }
0x29d: {  	_ =	swait.ge [sflag:s15], $0x80  }
0x29e: {  	[sflag:s15] =	ssyncset.done $0x0  }
0x29f: {  	[sflag:s15] =	ssyncadd.s32 $0xFFFFFF80  }
.LBB2_24:
0x2a0: {  	_ =	sfence.sel $0x180000  }
0x2a1: {  	[bflag:$0x0] =	sbarrier.arrive $0xFFFF  }
0x2a2: {  	_ =	strace $0x90000047  }
0x2a3: {  	s0 =	stileid.u32;
	[bflag:$0x2] =	sbarrier.arrive $0xFFFF  }
0x2a4: {  	p0 =	sne.s32 s0, $0x0;
	s0 =	rddreg [dreg:$0x4]  }
0x2a5: {  	s0 =	sadd.s32 @!p0 $0x100000, s0  }
0x2a6: {  	[sflag:s0] =	ssyncadd.tile.s32 @!p0 $0x1;
	_ =	shalt  }
.Lfunc_end2:
_tile_overlayer_lowered:
.L_overlay_start_2:
0x2a7: {  	(tag) =	ssettag $0x2  }
0x2a8: {  	s0 =	rddreg [dreg:$0x0];
	s2 =	stileid.u32  }
0x2a9: {  	s1 =	rddreg [dreg:$0x1];
	p0 =	sne.s32 s2, $0x0  }
0x2aa: {  	s3 =	rddreg [dreg:$0x2];
	[bflag:$0x3] =	sbarrier.arrive $0xFFFF;
	s2 =	simm.s32 @!p0 $0x1C03  }
0x2ab: {  	[timem:s3], [sflag:s2] =	dma.local @!p0 [hbm:s0], s1  }
0x2ac: {  	s0 =	simm.s32 @!p0 $0x3  }
0x2ad: {  	_ =	swait.ge @!p0 [sflag:s0], s1  }
0x2ae: {  	s1 =	ssub.s32 @!p0 $0x0, s1;
	[sflag:s0] =	ssyncset.done @!p0 $0x0  }
0x2af: {  	[sflag:s0] =	ssyncadd.s32 @!p0 s1  }
0x2b0: {  	[bflag:$0x3] =	sbarrier.arrive $0xFFFF  }
0x2b1: {  	_ =	shalt  }

</sc_bundles>
